<compile_context>
chip_gen: v7x
topology: tpu7x:2x2x1
jax: 0.10.2.dev20260603
libtpu: 0.0.44.dev20260713+nightly
codegen_flags: <defaults>
</compile_context>

<pallas_src>
import functools

import jax
import jax.numpy as jnp
from jax import lax
from jax.experimental import pallas as pl
from jax.experimental.pallas import tpu as pltpu
from jax.experimental.pallas import tpu_sc as plsc

_V = 1024
_D = 3
_N = 16384

_NC = 2
_NS = 16
_L = 16
_NW = _NC * _NS
_BPW = _N // _NW
_RPS = _V // _NS
_OB = 128
_NOB = _BPW // _OB


def _gather_call(table, idx):
  mesh = plsc.VectorSubcoreMesh(core_axis_name="c", subcore_axis_name="s")

  @functools.partial(
      pl.kernel,
      mesh=mesh,
      out_type=jax.ShapeDtypeStruct((_N, _D), jnp.float32),
      compiler_params=pltpu.CompilerParams(
          needs_layout_passes=False, skip_device_barrier=True),
      scratch_types=[
          pltpu.VMEM((_RPS, _D), jnp.float32),
          pltpu.VMEM((_V * _D,), jnp.float32),
          pltpu.VMEM((_BPW,), jnp.int32),
          pltpu.VMEM((2, _OB, _D), jnp.float32),
          pltpu.VMEM_SHARED((_V * _D,), jnp.float32),
          pltpu.SemaphoreType.DMA,
          pltpu.SemaphoreType.DMA((2,)),
      ],
  )
  def k(table_hbm, idx_hbm, out_hbm, stage_v, tab_v, idx_v, outb_v,
        tab_s, sem_i, sem_o):
    cid = lax.axis_index("c")
    sid = lax.axis_index("s")
    wid = sid * _NC + cid
    base = wid * _BPW
    cp_i = pltpu.async_copy(idx_hbm.at[pl.ds(base, _BPW)], idx_v, sem_i)
    loc = lax.iota(jnp.int32, _L)

    row0 = sid * _RPS
    pltpu.sync_copy(table_hbm.at[pl.ds(row0, _RPS)], stage_v)
    dst0 = row0 * _D
    for g in range(_RPS // _L):
      r16 = loc + g * _L
      pos = dst0 + (loc + g * _L) * _D
      for c in range(_D):
        cc = jnp.full((_L,), c, jnp.int32)
        v = plsc.load_gather(stage_v, [r16, cc])
        plsc.store_scatter(tab_v, [pos + c], v)
    pltpu.sync_copy(
        tab_v.at[pl.ds(dst0, _RPS * _D)], tab_s.at[pl.ds(dst0, _RPS * _D)])
    plsc.subcore_barrier()
    pltpu.sync_copy(tab_s, tab_v)

    cp_i.wait()
    cp_o = [None, None]
    for ob in range(_NOB):
      buf = ob % 2
      if cp_o[buf] is not None:
        cp_o[buf].wait()
      outb = outb_v.at[buf]
      for g in range(_OB // _L):
        rows = idx_v[pl.ds(ob * _OB + g * _L, _L)]
        offs = rows * _D
        pos = loc + g * _L
        for c in range(_D):
          cc = jnp.full((_L,), c, jnp.int32)
          col = plsc.load_gather(tab_v, [offs + c])
          plsc.store_scatter(outb, [pos, cc], col)
      cp_o[buf] = pltpu.async_copy(
          outb, out_hbm.at[pl.ds(base + ob * _OB, _OB)], sem_o.at[buf])
    cp_o[0].wait()
    cp_o[1].wait()

  return k(table, idx)


def kernel(embedding, indices):
  return _gather_call(embedding, indices)

# --- scband reference (transcript-rebuilt; emitter-appended) ---
"""Pipeline reference for scband-reve-position-bank-34265249088169 (READ-ONLY COPY).

The authoritative reference and input builder live on the scoring server;
editing this copy changes nothing except your own understanding.
"""

import jax, jax.numpy as jnp
import numpy as np

V = 1024
D = 3
N = 16384


def setup_inputs(seed: int = 0) -> dict:
    key = jax.random.key(seed)
    k_emb = jax.random.fold_in(key, 1)
    k_idx = jax.random.fold_in(key, 2)
    # The position bank buffer: (num_positions, 3) float coordinates.
    embedding = jax.random.normal(k_emb, (V, D), dtype=jnp.float32)
    # Precomputed indices standing in for [self.mapping[q] for q in channel_names].
    indices = jax.random.randint(k_idx, (N,), 0, V, dtype=jnp.int32)
    return {"embedding": embedding, "indices": indices}


def reference(embedding, indices):
    # Faithful to: return self.embedding[indices]
    return jnp.take(embedding, indices, axis=0)

if __name__ == "__main__":
    import jax
    _d = setup_inputs()
    print(jax.jit(kernel)(*tuple(_d.values())))

</pallas_src>

<mosaic_0001>
#map = affine_map<(d0, d1) -> (0, 0)>
#map1 = affine_map<(d0, d1) -> (0)>
module attributes {stable_mosaic.version = 14 : i64} {
  func.func @k(%arg0: i32, %arg1: i32, %arg2: memref<1024x3xf32, #tpu.memory_space<hbm>>, %arg3: memref<16384xi32, #tpu.memory_space<hbm>>, %arg4: memref<16384x3xf32, #tpu.memory_space<hbm>>, %arg5: memref<64x3xf32, #tpu.memory_space<vmem>>, %arg6: memref<3072xf32, #tpu.memory_space<vmem>>, %arg7: memref<512xi32, #tpu.memory_space<vmem>>, %arg8: memref<2x128x3xf32, #tpu.memory_space<vmem>>, %arg9: memref<3072xf32, #tpu.memory_space<vmem_shared>>, %arg10: memref<!tpu.dma_semaphore, #tpu.memory_space<semaphore_mem>>, %arg11: memref<2x!tpu.dma_semaphore, #tpu.memory_space<semaphore_mem>>) attributes {dimension_semantics = [#tpu.dimension_semantics<core_parallel>, #tpu.dimension_semantics<subcore_parallel>], iteration_bounds = array<i64: 2, 16>, scalar_prefetch = 0 : i64, scratch_operands = 7 : i64, tpu.core_type = #tpu.core_type<sc_vector_subcore>, window_params = [{transform_indices = #map}, {transform_indices = #map1}, {transform_indices = #map}]} {
    %mul3A = arith.constant 2 : i32
    %mul3A_0 = arith.muli %arg1, %mul3A : i32
    %add3A = arith.addi %mul3A_0, %arg0 : i32
    %mul3A_1 = arith.constant 512 : i32
    %mul3A_2 = arith.muli %add3A, %mul3A_1 : i32
    %dma_start3A = tpu.memref_slice %arg3[%mul3A_2] : memref<16384xi32, #tpu.memory_space<hbm>> -> memref<512xi32, #tpu.memory_space<hbm>>
    %dma_start3A_3 = tpu.memref_slice %arg3[%mul3A_2] : memref<16384xi32, #tpu.memory_space<hbm>> -> memref<512xi32, #tpu.memory_space<hbm>>
    tpu.enqueue_dma source(%dma_start3A_3 : memref<512xi32, #tpu.memory_space<hbm>>) target(%arg7 : memref<512xi32, #tpu.memory_space<vmem>>) target_semaphore(%arg10 : memref<!tpu.dma_semaphore, #tpu.memory_space<semaphore_mem>>)
    %iota3A = tpu.iota {dimensions = array<i32: 0>} : vector<16xi32>
    %mul3A_4 = arith.constant 64 : i32
    %mul3A_5 = arith.muli %arg1, %mul3A_4 : i32
    "tpu.region"() ({
      %run_scoped3A = tpu.sem_alloc : memref<!tpu.dma_semaphore, #tpu.memory_space<semaphore_mem>>
      %dma_start3A_1569 = arith.constant 0 : i32
      %dma_start3A_1570 = tpu.memref_slice %arg2[%mul3A_5, %dma_start3A_1569] : memref<1024x3xf32, #tpu.memory_space<hbm>> -> memref<64x3xf32, #tpu.memory_space<hbm>>
      %dma_start3A_1571 = arith.constant 0 : i32
      %dma_start3A_1572 = tpu.memref_slice %arg2[%mul3A_5, %dma_start3A_1571] : memref<1024x3xf32, #tpu.memory_space<hbm>> -> memref<64x3xf32, #tpu.memory_space<hbm>>
      tpu.enqueue_dma source(%dma_start3A_1572 : memref<64x3xf32, #tpu.memory_space<hbm>>) target(%arg5 : memref<64x3xf32, #tpu.memory_space<vmem>>) target_semaphore(%run_scoped3A : memref<!tpu.dma_semaphore, #tpu.memory_space<semaphore_mem>>)
      %dma_wait3A_1573 = arith.constant 0 : i32
      %dma_wait3A_1574 = tpu.memref_slice %arg2[%mul3A_5, %dma_wait3A_1573] : memref<1024x3xf32, #tpu.memory_space<hbm>> -> memref<64x3xf32, #tpu.memory_space<hbm>>
      %dma_wait3A_1575 = arith.constant 0 : i32
      %dma_wait3A_1576 = tpu.memref_slice %arg2[%mul3A_5, %dma_wait3A_1575] : memref<1024x3xf32, #tpu.memory_space<hbm>> -> memref<64x3xf32, #tpu.memory_space<hbm>>
      tpu.wait_dma2 semaphore(%run_scoped3A : memref<!tpu.dma_semaphore, #tpu.memory_space<semaphore_mem>>) src(%dma_wait3A_1576 : memref<64x3xf32, #tpu.memory_space<hbm>>) dst(%arg5 : memref<64x3xf32, #tpu.memory_space<vmem>>)
      tpu.yield
    }) : () -> ()
    %mul3A_6 = arith.constant 3 : i32
    %mul3A_7 = arith.muli %mul3A_5, %mul3A_6 : i32
    %add3A_8 = arith.constant 0 : i32
    %add3A_9 = vector.broadcast %add3A_8 : i32 to vector<16xi32>
    %add3A_10 = arith.addi %iota3A, %add3A_9 : vector<16xi32>
    %add3A_11 = arith.constant 0 : i32
    %add3A_12 = vector.broadcast %add3A_11 : i32 to vector<16xi32>
    %add3A_13 = arith.addi %iota3A, %add3A_12 : vector<16xi32>
    %mul3A_14 = arith.constant 3 : i32
    %mul3A_15 = vector.broadcast %mul3A_14 : i32 to vector<16xi32>
    %mul3A_16 = arith.muli %add3A_13, %mul3A_15 : vector<16xi32>
    %add3A_17 = vector.broadcast %mul3A_7 : i32 to vector<16xi32>
    %add3A_18 = arith.addi %add3A_17, %mul3A_16 : vector<16xi32>
    %broadcast_in_dim3A = arith.constant 0 : i32
    %broadcast_in_dim3A_19 = vector.broadcast %broadcast_in_dim3A : i32 to vector<16xi32>
    %gather3A = tpu.vector_load_idx %arg5[%add3A_10, %broadcast_in_dim3A_19] : memref<64x3xf32, #tpu.memory_space<vmem>>[vector<16xi32>, vector<16xi32>], vector<16xf32>,
    %add3A_20 = arith.constant 0 : i32
    %add3A_21 = vector.broadcast %add3A_20 : i32 to vector<16xi32>
    %add3A_22 = arith.addi %add3A_18, %add3A_21 : vector<16xi32>
    tpu.vector_store_idx %arg6[%add3A_22], %gather3A : memref<3072xf32, #tpu.memory_space<vmem>>[vector<16xi32>], vector<16xf32>,
    %broadcast_in_dim3A_23 = arith.constant 1 : i32
    %broadcast_in_dim3A_24 = vector.broadcast %broadcast_in_dim3A_23 : i32 to vector<16xi32>
    %gather3A_25 = tpu.vector_load_idx %arg5[%add3A_10, %broadcast_in_dim3A_24] : memref<64x3xf32, #tpu.memory_space<vmem>>[vector<16xi32>, vector<16xi32>], vector<16xf32>,
    %add3A_26 = arith.constant 1 : i32
    %add3A_27 = vector.broadcast %add3A_26 : i32 to vector<16xi32>
    %add3A_28 = arith.addi %add3A_18, %add3A_27 : vector<16xi32>
    tpu.vector_store_idx %arg6[%add3A_28], %gather3A_25 : memref<3072xf32, #tpu.memory_space<vmem>>[vector<16xi32>], vector<16xf32>,
    %broadcast_in_dim3A_29 = arith.constant 2 : i32
    %broadcast_in_dim3A_30 = vector.broadcast %broadcast_in_dim3A_29 : i32 to vector<16xi32>
    %gather3A_31 = tpu.vector_load_idx %arg5[%add3A_10, %broadcast_in_dim3A_30] : memref<64x3xf32, #tpu.memory_space<vmem>>[vector<16xi32>, vector<16xi32>], vector<16xf32>,
    %add3A_32 = arith.constant 2 : i32
    %add3A_33 = vector.broadcast %add3A_32 : i32 to vector<16xi32>
    %add3A_34 = arith.addi %add3A_18, %add3A_33 : vector<16xi32>
    tpu.vector_store_idx %arg6[%add3A_34], %gather3A_31 : memref<3072xf32, #tpu.memory_space<vmem>>[vector<16xi32>], vector<16xf32>,
    %add3A_35 = arith.constant 16 : i32
    %add3A_36 = vector.broadcast %add3A_35 : i32 to vector<16xi32>
    %add3A_37 = arith.addi %iota3A, %add3A_36 : vector<16xi32>
    %add3A_38 = arith.constant 16 : i32
    %add3A_39 = vector.broadcast %add3A_38 : i32 to vector<16xi32>
    %add3A_40 = arith.addi %iota3A, %add3A_39 : vector<16xi32>
    %mul3A_41 = arith.constant 3 : i32
    %mul3A_42 = vector.broadcast %mul3A_41 : i32 to vector<16xi32>
    %mul3A_43 = arith.muli %add3A_40, %mul3A_42 : vector<16xi32>
    %add3A_44 = vector.broadcast %mul3A_7 : i32 to vector<16xi32>
    %add3A_45 = arith.addi %add3A_44, %mul3A_43 : vector<16xi32>
    %broadcast_in_dim3A_46 = arith.constant 0 : i32
    %broadcast_in_dim3A_47 = vector.broadcast %broadcast_in_dim3A_46 : i32 to vector<16xi32>
    %gather3A_48 = tpu.vector_load_idx %arg5[%add3A_37, %broadcast_in_dim3A_47] : memref<64x3xf32, #tpu.memory_space<vmem>>[vector<16xi32>, vector<16xi32>], vector<16xf32>,
    %add3A_49 = arith.constant 0 : i32
    %add3A_50 = vector.broadcast %add3A_49 : i32 to vector<16xi32>
    %add3A_51 = arith.addi %add3A_45, %add3A_50 : vector<16xi32>
    tpu.vector_store_idx %arg6[%add3A_51], %gather3A_48 : memref<3072xf32, #tpu.memory_space<vmem>>[vector<16xi32>], vector<16xf32>,
    %broadcast_in_dim3A_52 = arith.constant 1 : i32
    %broadcast_in_dim3A_53 = vector.broadcast %broadcast_in_dim3A_52 : i32 to vector<16xi32>
    %gather3A_54 = tpu.vector_load_idx %arg5[%add3A_37, %broadcast_in_dim3A_53] : memref<64x3xf32, #tpu.memory_space<vmem>>[vector<16xi32>, vector<16xi32>], vector<16xf32>,
    %add3A_55 = arith.constant 1 : i32
    %add3A_56 = vector.broadcast %add3A_55 : i32 to vector<16xi32>
    %add3A_57 = arith.addi %add3A_45, %add3A_56 : vector<16xi32>
    tpu.vector_store_idx %arg6[%add3A_57], %gather3A_54 : memref<3072xf32, #tpu.memory_space<vmem>>[vector<16xi32>], vector<16xf32>,
    %broadcast_in_dim3A_58 = arith.constant 2 : i32
    %broadcast_in_dim3A_59 = vector.broadcast %broadcast_in_dim3A_58 : i32 to vector<16xi32>
    %gather3A_60 = tpu.vector_load_idx %arg5[%add3A_37, %broadcast_in_dim3A_59] : memref<64x3xf32, #tpu.memory_space<vmem>>[vector<16xi32>, vector<16xi32>], vector<16xf32>,
    %add3A_61 = arith.constant 2 : i32
    %add3A_62 = vector.broadcast %add3A_61 : i32 to vector<16xi32>
    %add3A_63 = arith.addi %add3A_45, %add3A_62 : vector<16xi32>
    tpu.vector_store_idx %arg6[%add3A_63], %gather3A_60 : memref<3072xf32, #tpu.memory_space<vmem>>[vector<16xi32>], vector<16xf32>,
    %add3A_64 = arith.constant 32 : i32
    %add3A_65 = vector.broadcast %add3A_64 : i32 to vector<16xi32>
    %add3A_66 = arith.addi %iota3A, %add3A_65 : vector<16xi32>
    %add3A_67 = arith.constant 32 : i32
    %add3A_68 = vector.broadcast %add3A_67 : i32 to vector<16xi32>
    %add3A_69 = arith.addi %iota3A, %add3A_68 : vector<16xi32>
    %mul3A_70 = arith.constant 3 : i32
    %mul3A_71 = vector.broadcast %mul3A_70 : i32 to vector<16xi32>
    %mul3A_72 = arith.muli %add3A_69, %mul3A_71 : vector<16xi32>
    %add3A_73 = vector.broadcast %mul3A_7 : i32 to vector<16xi32>
    %add3A_74 = arith.addi %add3A_73, %mul3A_72 : vector<16xi32>
    %broadcast_in_dim3A_75 = arith.constant 0 : i32
    %broadcast_in_dim3A_76 = vector.broadcast %broadcast_in_dim3A_75 : i32 to vector<16xi32>
    %gather3A_77 = tpu.vector_load_idx %arg5[%add3A_66, %broadcast_in_dim3A_76] : memref<64x3xf32, #tpu.memory_space<vmem>>[vector<16xi32>, vector<16xi32>], vector<16xf32>,
    %add3A_78 = arith.constant 0 : i32
    %add3A_79 = vector.broadcast %add3A_78 : i32 to vector<16xi32>
    %add3A_80 = arith.addi %add3A_74, %add3A_79 : vector<16xi32>
    tpu.vector_store_idx %arg6[%add3A_80], %gather3A_77 : memref<3072xf32, #tpu.memory_space<vmem>>[vector<16xi32>], vector<16xf32>,
    %broadcast_in_dim3A_81 = arith.constant 1 : i32
    %broadcast_in_dim3A_82 = vector.broadcast %broadcast_in_dim3A_81 : i32 to vector<16xi32>
    %gather3A_83 = tpu.vector_load_idx %arg5[%add3A_66, %broadcast_in_dim3A_82] : memref<64x3xf32, #tpu.memory_space<vmem>>[vector<16xi32>, vector<16xi32>], vector<16xf32>,
    %add3A_84 = arith.constant 1 : i32
    %add3A_85 = vector.broadcast %add3A_84 : i32 to vector<16xi32>
    %add3A_86 = arith.addi %add3A_74, %add3A_85 : vector<16xi32>
    tpu.vector_store_idx %arg6[%add3A_86], %gather3A_83 : memref<3072xf32, #tpu.memory_space<vmem>>[vector<16xi32>], vector<16xf32>,
    %broadcast_in_dim3A_87 = arith.constant 2 : i32
    %broadcast_in_dim3A_88 = vector.broadcast %broadcast_in_dim3A_87 : i32 to vector<16xi32>
    %gather3A_89 = tpu.vector_load_idx %arg5[%add3A_66, %broadcast_in_dim3A_88] : memref<64x3xf32, #tpu.memory_space<vmem>>[vector<16xi32>, vector<16xi32>], vector<16xf32>,
    %add3A_90 = arith.constant 2 : i32
    %add3A_91 = vector.broadcast %add3A_90 : i32 to vector<16xi32>
    %add3A_92 = arith.addi %add3A_74, %add3A_91 : vector<16xi32>
    tpu.vector_store_idx %arg6[%add3A_92], %gather3A_89 : memref<3072xf32, #tpu.memory_space<vmem>>[vector<16xi32>], vector<16xf32>,
    %add3A_93 = arith.constant 48 : i32
    %add3A_94 = vector.broadcast %add3A_93 : i32 to vector<16xi32>
    %add3A_95 = arith.addi %iota3A, %add3A_94 : vector<16xi32>
    %add3A_96 = arith.constant 48 : i32
    %add3A_97 = vector.broadcast %add3A_96 : i32 to vector<16xi32>
    %add3A_98 = arith.addi %iota3A, %add3A_97 : vector<16xi32>
    %mul3A_99 = arith.constant 3 : i32
    %mul3A_100 = vector.broadcast %mul3A_99 : i32 to vector<16xi32>
    %mul3A_101 = arith.muli %add3A_98, %mul3A_100 : vector<16xi32>
    %add3A_102 = vector.broadcast %mul3A_7 : i32 to vector<16xi32>
    %add3A_103 = arith.addi %add3A_102, %mul3A_101 : vector<16xi32>
    %broadcast_in_dim3A_104 = arith.constant 0 : i32
    %broadcast_in_dim3A_105 = vector.broadcast %broadcast_in_dim3A_104 : i32 to vector<16xi32>
    %gather3A_106 = tpu.vector_load_idx %arg5[%add3A_95, %broadcast_in_dim3A_105] : memref<64x3xf32, #tpu.memory_space<vmem>>[vector<16xi32>, vector<16xi32>], vector<16xf32>,
    %add3A_107 = arith.constant 0 : i32
    %add3A_108 = vector.broadcast %add3A_107 : i32 to vector<16xi32>
    %add3A_109 = arith.addi %add3A_103, %add3A_108 : vector<16xi32>
    tpu.vector_store_idx %arg6[%add3A_109], %gather3A_106 : memref<3072xf32, #tpu.memory_space<vmem>>[vector<16xi32>], vector<16xf32>,
    %broadcast_in_dim3A_110 = arith.constant 1 : i32
    %broadcast_in_dim3A_111 = vector.broadcast %broadcast_in_dim3A_110 : i32 to vector<16xi32>
    %gather3A_112 = tpu.vector_load_idx %arg5[%add3A_95, %broadcast_in_dim3A_111] : memref<64x3xf32, #tpu.memory_space<vmem>>[vector<16xi32>, vector<16xi32>], vector<16xf32>,
    %add3A_113 = arith.constant 1 : i32
    %add3A_114 = vector.broadcast %add3A_113 : i32 to vector<16xi32>
    %add3A_115 = arith.addi %add3A_103, %add3A_114 : vector<16xi32>
    tpu.vector_store_idx %arg6[%add3A_115], %gather3A_112 : memref<3072xf32, #tpu.memory_space<vmem>>[vector<16xi32>], vector<16xf32>,
    %broadcast_in_dim3A_116 = arith.constant 2 : i32
    %broadcast_in_dim3A_117 = vector.broadcast %broadcast_in_dim3A_116 : i32 to vector<16xi32>
    %gather3A_118 = tpu.vector_load_idx %arg5[%add3A_95, %broadcast_in_dim3A_117] : memref<64x3xf32, #tpu.memory_space<vmem>>[vector<16xi32>, vector<16xi32>], vector<16xf32>,
    %add3A_119 = arith.constant 2 : i32
    %add3A_120 = vector.broadcast %add3A_119 : i32 to vector<16xi32>
    %add3A_121 = arith.addi %add3A_103, %add3A_120 : vector<16xi32>
    tpu.vector_store_idx %arg6[%add3A_121], %gather3A_118 : memref<3072xf32, #tpu.memory_space<vmem>>[vector<16xi32>], vector<16xf32>,
    "tpu.region"() ({
      %run_scoped3A = tpu.sem_alloc : memref<!tpu.dma_semaphore, #tpu.memory_space<semaphore_mem>>
      %dma_start3A_1569 = tpu.memref_slice %arg6[%mul3A_7] : memref<3072xf32, #tpu.memory_space<vmem>> -> memref<192xf32, #tpu.memory_space<vmem>>
      %dma_start3A_1570 = tpu.memref_slice %arg9[%mul3A_7] : memref<3072xf32, #tpu.memory_space<vmem_shared>> -> memref<192xf32, #tpu.memory_space<vmem_shared>>
      %dma_start3A_1571 = tpu.memref_slice %arg9[%mul3A_7] : memref<3072xf32, #tpu.memory_space<vmem_shared>> -> memref<192xf32, #tpu.memory_space<vmem_shared>>
      %dma_start3A_1572 = tpu.memref_slice %arg6[%mul3A_7] : memref<3072xf32, #tpu.memory_space<vmem>> -> memref<192xf32, #tpu.memory_space<vmem>>
      tpu.enqueue_dma source(%dma_start3A_1572 : memref<192xf32, #tpu.memory_space<vmem>>) target(%dma_start3A_1571 : memref<192xf32, #tpu.memory_space<vmem_shared>>) target_semaphore(%run_scoped3A : memref<!tpu.dma_semaphore, #tpu.memory_space<semaphore_mem>>)
      %dma_wait3A_1573 = tpu.memref_slice %arg6[%mul3A_7] : memref<3072xf32, #tpu.memory_space<vmem>> -> memref<192xf32, #tpu.memory_space<vmem>>
      %dma_wait3A_1574 = tpu.memref_slice %arg9[%mul3A_7] : memref<3072xf32, #tpu.memory_space<vmem_shared>> -> memref<192xf32, #tpu.memory_space<vmem_shared>>
      %dma_wait3A_1575 = tpu.memref_slice %arg9[%mul3A_7] : memref<3072xf32, #tpu.memory_space<vmem_shared>> -> memref<192xf32, #tpu.memory_space<vmem_shared>>
      %dma_wait3A_1576 = tpu.memref_slice %arg6[%mul3A_7] : memref<3072xf32, #tpu.memory_space<vmem>> -> memref<192xf32, #tpu.memory_space<vmem>>
      tpu.wait_dma2 semaphore(%run_scoped3A : memref<!tpu.dma_semaphore, #tpu.memory_space<semaphore_mem>>) src(%dma_wait3A_1576 : memref<192xf32, #tpu.memory_space<vmem>>) dst(%dma_wait3A_1575 : memref<192xf32, #tpu.memory_space<vmem_shared>>)
      tpu.yield
    }) : () -> ()
    %barrier3A = arith.constant 0 : index
    tpu.barrier barrier_id(%barrier3A)
    "tpu.region"() ({
      %run_scoped3A = tpu.sem_alloc : memref<!tpu.dma_semaphore, #tpu.memory_space<semaphore_mem>>
      tpu.enqueue_dma source(%arg9 : memref<3072xf32, #tpu.memory_space<vmem_shared>>) target(%arg6 : memref<3072xf32, #tpu.memory_space<vmem>>) target_semaphore(%run_scoped3A : memref<!tpu.dma_semaphore, #tpu.memory_space<semaphore_mem>>)
      tpu.wait_dma2 semaphore(%run_scoped3A : memref<!tpu.dma_semaphore, #tpu.memory_space<semaphore_mem>>) src(%arg9 : memref<3072xf32, #tpu.memory_space<vmem_shared>>) dst(%arg6 : memref<3072xf32, #tpu.memory_space<vmem>>)
      tpu.yield
    }) : () -> ()
    %dma_wait3A = tpu.memref_slice %arg3[%mul3A_2] : memref<16384xi32, #tpu.memory_space<hbm>> -> memref<512xi32, #tpu.memory_space<hbm>>
    %dma_wait3A_122 = tpu.memref_slice %arg3[%mul3A_2] : memref<16384xi32, #tpu.memory_space<hbm>> -> memref<512xi32, #tpu.memory_space<hbm>>
    tpu.wait_dma2 semaphore(%arg10 : memref<!tpu.dma_semaphore, #tpu.memory_space<semaphore_mem>>) src(%dma_wait3A_122 : memref<512xi32, #tpu.memory_space<hbm>>) dst(%arg7 : memref<512xi32, #tpu.memory_space<vmem>>)
    %get3A = arith.constant 0 : index
    %get3A_123 = tpu.vector_load %arg7[%get3A] {strides = array<i32>} : memref<512xi32, #tpu.memory_space<vmem>>, vector<16xi32>,
    %mul3A_124 = arith.constant 3 : i32
    %mul3A_125 = vector.broadcast %mul3A_124 : i32 to vector<16xi32>
    %mul3A_126 = arith.muli %get3A_123, %mul3A_125 : vector<16xi32>
    %add3A_127 = arith.constant 0 : i32
    %add3A_128 = vector.broadcast %add3A_127 : i32 to vector<16xi32>
    %add3A_129 = arith.addi %iota3A, %add3A_128 : vector<16xi32>
    %broadcast_in_dim3A_130 = arith.constant 0 : i32
    %broadcast_in_dim3A_131 = vector.broadcast %broadcast_in_dim3A_130 : i32 to vector<16xi32>
    %add3A_132 = arith.constant 0 : i32
    %add3A_133 = vector.broadcast %add3A_132 : i32 to vector<16xi32>
    %add3A_134 = arith.addi %mul3A_126, %add3A_133 : vector<16xi32>
    %gather3A_135 = tpu.vector_load_idx %arg6[%add3A_134] : memref<3072xf32, #tpu.memory_space<vmem>>[vector<16xi32>], vector<16xf32>,
    %scatter3A = arith.constant 0 : i32
    %scatter3A_136 = arith.constant 0 : i32
    %scatter3A_137 = arith.constant 0 : i32
    %scatter3A_138 = tpu.memref_slice %arg8[%scatter3A, %scatter3A_136, %scatter3A_137] : memref<2x128x3xf32, #tpu.memory_space<vmem>> -> memref<1x128x3xf32, #tpu.memory_space<vmem>>
    %scatter3A_139 = tpu.memref_squeeze %scatter3A_138 : memref<1x128x3xf32, #tpu.memory_space<vmem>> -> memref<128x3xf32, #tpu.memory_space<vmem>>
    tpu.vector_store_idx %scatter3A_139[%add3A_129, %broadcast_in_dim3A_131], %gather3A_135 : memref<128x3xf32, #tpu.memory_space<vmem>>[vector<16xi32>, vector<16xi32>], vector<16xf32>,
    %broadcast_in_dim3A_140 = arith.constant 1 : i32
    %broadcast_in_dim3A_141 = vector.broadcast %broadcast_in_dim3A_140 : i32 to vector<16xi32>
    %add3A_142 = arith.constant 1 : i32
    %add3A_143 = vector.broadcast %add3A_142 : i32 to vector<16xi32>
    %add3A_144 = arith.addi %mul3A_126, %add3A_143 : vector<16xi32>
    %gather3A_145 = tpu.vector_load_idx %arg6[%add3A_144] : memref<3072xf32, #tpu.memory_space<vmem>>[vector<16xi32>], vector<16xf32>,
    %scatter3A_146 = arith.constant 0 : i32
    %scatter3A_147 = arith.constant 0 : i32
    %scatter3A_148 = arith.constant 0 : i32
    %scatter3A_149 = tpu.memref_slice %arg8[%scatter3A_146, %scatter3A_147, %scatter3A_148] : memref<2x128x3xf32, #tpu.memory_space<vmem>> -> memref<1x128x3xf32, #tpu.memory_space<vmem>>
    %scatter3A_150 = tpu.memref_squeeze %scatter3A_149 : memref<1x128x3xf32, #tpu.memory_space<vmem>> -> memref<128x3xf32, #tpu.memory_space<vmem>>
    tpu.vector_store_idx %scatter3A_150[%add3A_129, %broadcast_in_dim3A_141], %gather3A_145 : memref<128x3xf32, #tpu.memory_space<vmem>>[vector<16xi32>, vector<16xi32>], vector<16xf32>,
    %broadcast_in_dim3A_151 = arith.constant 2 : i32
    %broadcast_in_dim3A_152 = vector.broadcast %broadcast_in_dim3A_151 : i32 to vector<16xi32>
    %add3A_153 = arith.constant 2 : i32
    %add3A_154 = vector.broadcast %add3A_153 : i32 to vector<16xi32>
    %add3A_155 = arith.addi %mul3A_126, %add3A_154 : vector<16xi32>
    %gather3A_156 = tpu.vector_load_idx %arg6[%add3A_155] : memref<3072xf32, #tpu.memory_space<vmem>>[vector<16xi32>], vector<16xf32>,
    %scatter3A_157 = arith.constant 0 : i32
    %scatter3A_158 = arith.constant 0 : i32
    %scatter3A_159 = arith.constant 0 : i32
    %scatter3A_160 = tpu.memref_slice %arg8[%scatter3A_157, %scatter3A_158, %scatter3A_159] : memref<2x128x3xf32, #tpu.memory_space<vmem>> -> memref<1x128x3xf32, #tpu.memory_space<vmem>>
    %scatter3A_161 = tpu.memref_squeeze %scatter3A_160 : memref<1x128x3xf32, #tpu.memory_space<vmem>> -> memref<128x3xf32, #tpu.memory_space<vmem>>
    tpu.vector_store_idx %scatter3A_161[%add3A_129, %broadcast_in_dim3A_152], %gather3A_156 : memref<128x3xf32, #tpu.memory_space<vmem>>[vector<16xi32>, vector<16xi32>], vector<16xf32>,
    %get3A_162 = arith.constant 16 : index
    %get3A_163 = tpu.vector_load %arg7[%get3A_162] {strides = array<i32>} : memref<512xi32, #tpu.memory_space<vmem>>, vector<16xi32>,
    %mul3A_164 = arith.constant 3 : i32
    %mul3A_165 = vector.broadcast %mul3A_164 : i32 to vector<16xi32>
    %mul3A_166 = arith.muli %get3A_163, %mul3A_165 : vector<16xi32>
    %add3A_167 = arith.constant 16 : i32
    %add3A_168 = vector.broadcast %add3A_167 : i32 to vector<16xi32>
    %add3A_169 = arith.addi %iota3A, %add3A_168 : vector<16xi32>
    %broadcast_in_dim3A_170 = arith.constant 0 : i32
    %broadcast_in_dim3A_171 = vector.broadcast %broadcast_in_dim3A_170 : i32 to vector<16xi32>
    %add3A_172 = arith.constant 0 : i32
    %add3A_173 = vector.broadcast %add3A_172 : i32 to vector<16xi32>
    %add3A_174 = arith.addi %mul3A_166, %add3A_173 : vector<16xi32>
    %gather3A_175 = tpu.vector_load_idx %arg6[%add3A_174] : memref<3072xf32, #tpu.memory_space<vmem>>[vector<16xi32>], vector<16xf32>,
    %scatter3A_176 = arith.constant 0 : i32
    %scatter3A_177 = arith.constant 0 : i32
    %scatter3A_178 = arith.constant 0 : i32
    %scatter3A_179 = tpu.memref_slice %arg8[%scatter3A_176, %scatter3A_177, %scatter3A_178] : memref<2x128x3xf32, #tpu.memory_space<vmem>> -> memref<1x128x3xf32, #tpu.memory_space<vmem>>
    %scatter3A_180 = tpu.memref_squeeze %scatter3A_179 : memref<1x128x3xf32, #tpu.memory_space<vmem>> -> memref<128x3xf32, #tpu.memory_space<vmem>>
    tpu.vector_store_idx %scatter3A_180[%add3A_169, %broadcast_in_dim3A_171], %gather3A_175 : memref<128x3xf32, #tpu.memory_space<vmem>>[vector<16xi32>, vector<16xi32>], vector<16xf32>,
    %broadcast_in_dim3A_181 = arith.constant 1 : i32
    %broadcast_in_dim3A_182 = vector.broadcast %broadcast_in_dim3A_181 : i32 to vector<16xi32>
    %add3A_183 = arith.constant 1 : i32
    %add3A_184 = vector.broadcast %add3A_183 : i32 to vector<16xi32>
    %add3A_185 = arith.addi %mul3A_166, %add3A_184 : vector<16xi32>
    %gather3A_186 = tpu.vector_load_idx %arg6[%add3A_185] : memref<3072xf32, #tpu.memory_space<vmem>>[vector<16xi32>], vector<16xf32>,
    %scatter3A_187 = arith.constant 0 : i32
    %scatter3A_188 = arith.constant 0 : i32
    %scatter3A_189 = arith.constant 0 : i32
    %scatter3A_190 = tpu.memref_slice %arg8[%scatter3A_187, %scatter3A_188, %scatter3A_189] : memref<2x128x3xf32, #tpu.memory_space<vmem>> -> memref<1x128x3xf32, #tpu.memory_space<vmem>>
    %scatter3A_191 = tpu.memref_squeeze %scatter3A_190 : memref<1x128x3xf32, #tpu.memory_space<vmem>> -> memref<128x3xf32, #tpu.memory_space<vmem>>
    tpu.vector_store_idx %scatter3A_191[%add3A_169, %broadcast_in_dim3A_182], %gather3A_186 : memref<128x3xf32, #tpu.memory_space<vmem>>[vector<16xi32>, vector<16xi32>], vector<16xf32>,
    %broadcast_in_dim3A_192 = arith.constant 2 : i32
    %broadcast_in_dim3A_193 = vector.broadcast %broadcast_in_dim3A_192 : i32 to vector<16xi32>
    %add3A_194 = arith.constant 2 : i32
    %add3A_195 = vector.broadcast %add3A_194 : i32 to vector<16xi32>
    %add3A_196 = arith.addi %mul3A_166, %add3A_195 : vector<16xi32>
    %gather3A_197 = tpu.vector_load_idx %arg6[%add3A_196] : memref<3072xf32, #tpu.memory_space<vmem>>[vector<16xi32>], vector<16xf32>,
    %scatter3A_198 = arith.constant 0 : i32
    %scatter3A_199 = arith.constant 0 : i32
    %scatter3A_200 = arith.constant 0 : i32
    %scatter3A_201 = tpu.memref_slice %arg8[%scatter3A_198, %scatter3A_199, %scatter3A_200] : memref<2x128x3xf32, #tpu.memory_space<vmem>> -> memref<1x128x3xf32, #tpu.memory_space<vmem>>
    %scatter3A_202 = tpu.memref_squeeze %scatter3A_201 : memref<1x128x3xf32, #tpu.memory_space<vmem>> -> memref<128x3xf32, #tpu.memory_space<vmem>>
    tpu.vector_store_idx %scatter3A_202[%add3A_169, %broadcast_in_dim3A_193], %gather3A_197 : memref<128x3xf32, #tpu.memory_space<vmem>>[vector<16xi32>, vector<16xi32>], vector<16xf32>,
    %get3A_203 = arith.constant 32 : index
    %get3A_204 = tpu.vector_load %arg7[%get3A_203] {strides = array<i32>} : memref<512xi32, #tpu.memory_space<vmem>>, vector<16xi32>,
    %mul3A_205 = arith.constant 3 : i32
    %mul3A_206 = vector.broadcast %mul3A_205 : i32 to vector<16xi32>
    %mul3A_207 = arith.muli %get3A_204, %mul3A_206 : vector<16xi32>
    %add3A_208 = arith.constant 32 : i32
    %add3A_209 = vector.broadcast %add3A_208 : i32 to vector<16xi32>
    %add3A_210 = arith.addi %iota3A, %add3A_209 : vector<16xi32>
    %broadcast_in_dim3A_211 = arith.constant 0 : i32
    %broadcast_in_dim3A_212 = vector.broadcast %broadcast_in_dim3A_211 : i32 to vector<16xi32>
    %add3A_213 = arith.constant 0 : i32
    %add3A_214 = vector.broadcast %add3A_213 : i32 to vector<16xi32>
    %add3A_215 = arith.addi %mul3A_207, %add3A_214 : vector<16xi32>
    %gather3A_216 = tpu.vector_load_idx %arg6[%add3A_215] : memref<3072xf32, #tpu.memory_space<vmem>>[vector<16xi32>], vector<16xf32>,
    %scatter3A_217 = arith.constant 0 : i32
    %scatter3A_218 = arith.constant 0 : i32
    %scatter3A_219 = arith.constant 0 : i32
    %scatter3A_220 = tpu.memref_slice %arg8[%scatter3A_217, %scatter3A_218, %scatter3A_219] : memref<2x128x3xf32, #tpu.memory_space<vmem>> -> memref<1x128x3xf32, #tpu.memory_space<vmem>>
    %scatter3A_221 = tpu.memref_squeeze %scatter3A_220 : memref<1x128x3xf32, #tpu.memory_space<vmem>> -> memref<128x3xf32, #tpu.memory_space<vmem>>
    tpu.vector_store_idx %scatter3A_221[%add3A_210, %broadcast_in_dim3A_212], %gather3A_216 : memref<128x3xf32, #tpu.memory_space<vmem>>[vector<16xi32>, vector<16xi32>], vector<16xf32>,
    %broadcast_in_dim3A_222 = arith.constant 1 : i32
    %broadcast_in_dim3A_223 = vector.broadcast %broadcast_in_dim3A_222 : i32 to vector<16xi32>
    %add3A_224 = arith.constant 1 : i32
    %add3A_225 = vector.broadcast %add3A_224 : i32 to vector<16xi32>
    %add3A_226 = arith.addi %mul3A_207, %add3A_225 : vector<16xi32>
    %gather3A_227 = tpu.vector_load_idx %arg6[%add3A_226] : memref<3072xf32, #tpu.memory_space<vmem>>[vector<16xi32>], vector<16xf32>,
    %scatter3A_228 = arith.constant 0 : i32
    %scatter3A_229 = arith.constant 0 : i32
    %scatter3A_230 = arith.constant 0 : i32
    %scatter3A_231 = tpu.memref_slice %arg8[%scatter3A_228, %scatter3A_229, %scatter3A_230] : memref<2x128x3xf32, #tpu.memory_space<vmem>> -> memref<1x128x3xf32, #tpu.memory_space<vmem>>
    %scatter3A_232 = tpu.memref_squeeze %scatter3A_231 : memref<1x128x3xf32, #tpu.memory_space<vmem>> -> memref<128x3xf32, #tpu.memory_space<vmem>>
    tpu.vector_store_idx %scatter3A_232[%add3A_210, %broadcast_in_dim3A_223], %gather3A_227 : memref<128x3xf32, #tpu.memory_space<vmem>>[vector<16xi32>, vector<16xi32>], vector<16xf32>,
    %broadcast_in_dim3A_233 = arith.constant 2 : i32
    %broadcast_in_dim3A_234 = vector.broadcast %broadcast_in_dim3A_233 : i32 to vector<16xi32>
    %add3A_235 = arith.constant 2 : i32
    %add3A_236 = vector.broadcast %add3A_235 : i32 to vector<16xi32>
    %add3A_237 = arith.addi %mul3A_207, %add3A_236 : vector<16xi32>
    %gather3A_238 = tpu.vector_load_idx %arg6[%add3A_237] : memref<3072xf32, #tpu.memory_space<vmem>>[vector<16xi32>], vector<16xf32>,
    %scatter3A_239 = arith.constant 0 : i32
    %scatter3A_240 = arith.constant 0 : i32
    %scatter3A_241 = arith.constant 0 : i32
    %scatter3A_242 = tpu.memref_slice %arg8[%scatter3A_239, %scatter3A_240, %scatter3A_241] : memref<2x128x3xf32, #tpu.memory_space<vmem>> -> memref<1x128x3xf32, #tpu.memory_space<vmem>>
    %scatter3A_243 = tpu.memref_squeeze %scatter3A_242 : memref<1x128x3xf32, #tpu.memory_space<vmem>> -> memref<128x3xf32, #tpu.memory_space<vmem>>
    tpu.vector_store_idx %scatter3A_243[%add3A_210, %broadcast_in_dim3A_234], %gather3A_238 : memref<128x3xf32, #tpu.memory_space<vmem>>[vector<16xi32>, vector<16xi32>], vector<16xf32>,
    %get3A_244 = arith.constant 48 : index
    %get3A_245 = tpu.vector_load %arg7[%get3A_244] {strides = array<i32>} : memref<512xi32, #tpu.memory_space<vmem>>, vector<16xi32>,
    %mul3A_246 = arith.constant 3 : i32
    %mul3A_247 = vector.broadcast %mul3A_246 : i32 to vector<16xi32>
    %mul3A_248 = arith.muli %get3A_245, %mul3A_247 : vector<16xi32>
    %add3A_249 = arith.constant 48 : i32
    %add3A_250 = vector.broadcast %add3A_249 : i32 to vector<16xi32>
    %add3A_251 = arith.addi %iota3A, %add3A_250 : vector<16xi32>
    %broadcast_in_dim3A_252 = arith.constant 0 : i32
    %broadcast_in_dim3A_253 = vector.broadcast %broadcast_in_dim3A_252 : i32 to vector<16xi32>
    %add3A_254 = arith.constant 0 : i32
    %add3A_255 = vector.broadcast %add3A_254 : i32 to vector<16xi32>
    %add3A_256 = arith.addi %mul3A_248, %add3A_255 : vector<16xi32>
    %gather3A_257 = tpu.vector_load_idx %arg6[%add3A_256] : memref<3072xf32, #tpu.memory_space<vmem>>[vector<16xi32>], vector<16xf32>,
    %scatter3A_258 = arith.constant 0 : i32
    %scatter3A_259 = arith.constant 0 : i32
    %scatter3A_260 = arith.constant 0 : i32
    %scatter3A_261 = tpu.memref_slice %arg8[%scatter3A_258, %scatter3A_259, %scatter3A_260] : memref<2x128x3xf32, #tpu.memory_space<vmem>> -> memref<1x128x3xf32, #tpu.memory_space<vmem>>
    %scatter3A_262 = tpu.memref_squeeze %scatter3A_261 : memref<1x128x3xf32, #tpu.memory_space<vmem>> -> memref<128x3xf32, #tpu.memory_space<vmem>>
    tpu.vector_store_idx %scatter3A_262[%add3A_251, %broadcast_in_dim3A_253], %gather3A_257 : memref<128x3xf32, #tpu.memory_space<vmem>>[vector<16xi32>, vector<16xi32>], vector<16xf32>,
    %broadcast_in_dim3A_263 = arith.constant 1 : i32
    %broadcast_in_dim3A_264 = vector.broadcast %broadcast_in_dim3A_263 : i32 to vector<16xi32>
    %add3A_265 = arith.constant 1 : i32
    %add3A_266 = vector.broadcast %add3A_265 : i32 to vector<16xi32>
    %add3A_267 = arith.addi %mul3A_248, %add3A_266 : vector<16xi32>
    %gather3A_268 = tpu.vector_load_idx %arg6[%add3A_267] : memref<3072xf32, #tpu.memory_space<vmem>>[vector<16xi32>], vector<16xf32>,
    %scatter3A_269 = arith.constant 0 : i32
    %scatter3A_270 = arith.constant 0 : i32
    %scatter3A_271 = arith.constant 0 : i32
    %scatter3A_272 = tpu.memref_slice %arg8[%scatter3A_269, %scatter3A_270, %scatter3A_271] : memref<2x128x3xf32, #tpu.memory_space<vmem>> -> memref<1x128x3xf32, #tpu.memory_space<vmem>>
    %scatter3A_273 = tpu.memref_squeeze %scatter3A_272 : memref<1x128x3xf32, #tpu.memory_space<vmem>> -> memref<128x3xf32, #tpu.memory_space<vmem>>
    tpu.vector_store_idx %scatter3A_273[%add3A_251, %broadcast_in_dim3A_264], %gather3A_268 : memref<128x3xf32, #tpu.memory_space<vmem>>[vector<16xi32>, vector<16xi32>], vector<16xf32>,
    %broadcast_in_dim3A_274 = arith.constant 2 : i32
    %broadcast_in_dim3A_275 = vector.broadcast %broadcast_in_dim3A_274 : i32 to vector<16xi32>
    %add3A_276 = arith.constant 2 : i32
    %add3A_277 = vector.broadcast %add3A_276 : i32 to vector<16xi32>
    %add3A_278 = arith.addi %mul3A_248, %add3A_277 : vector<16xi32>
    %gather3A_279 = tpu.vector_load_idx %arg6[%add3A_278] : memref<3072xf32, #tpu.memory_space<vmem>>[vector<16xi32>], vector<16xf32>,
    %scatter3A_280 = arith.constant 0 : i32
    %scatter3A_281 = arith.constant 0 : i32
    %scatter3A_282 = arith.constant 0 : i32
    %scatter3A_283 = tpu.memref_slice %arg8[%scatter3A_280, %scatter3A_281, %scatter3A_282] : memref<2x128x3xf32, #tpu.memory_space<vmem>> -> memref<1x128x3xf32, #tpu.memory_space<vmem>>
    %scatter3A_284 = tpu.memref_squeeze %scatter3A_283 : memref<1x128x3xf32, #tpu.memory_space<vmem>> -> memref<128x3xf32, #tpu.memory_space<vmem>>
    tpu.vector_store_idx %scatter3A_284[%add3A_251, %broadcast_in_dim3A_275], %gather3A_279 : memref<128x3xf32, #tpu.memory_space<vmem>>[vector<16xi32>, vector<16xi32>], vector<16xf32>,
    %get3A_285 = arith.constant 64 : index
    %get3A_286 = tpu.vector_load %arg7[%get3A_285] {strides = array<i32>} : memref<512xi32, #tpu.memory_space<vmem>>, vector<16xi32>,
    %mul3A_287 = arith.constant 3 : i32
    %mul3A_288 = vector.broadcast %mul3A_287 : i32 to vector<16xi32>
    %mul3A_289 = arith.muli %get3A_286, %mul3A_288 : vector<16xi32>
    %add3A_290 = arith.constant 64 : i32
    %add3A_291 = vector.broadcast %add3A_290 : i32 to vector<16xi32>
    %add3A_292 = arith.addi %iota3A, %add3A_291 : vector<16xi32>
    %broadcast_in_dim3A_293 = arith.constant 0 : i32
    %broadcast_in_dim3A_294 = vector.broadcast %broadcast_in_dim3A_293 : i32 to vector<16xi32>
    %add3A_295 = arith.constant 0 : i32
    %add3A_296 = vector.broadcast %add3A_295 : i32 to vector<16xi32>
    %add3A_297 = arith.addi %mul3A_289, %add3A_296 : vector<16xi32>
    %gather3A_298 = tpu.vector_load_idx %arg6[%add3A_297] : memref<3072xf32, #tpu.memory_space<vmem>>[vector<16xi32>], vector<16xf32>,
    %scatter3A_299 = arith.constant 0 : i32
    %scatter3A_300 = arith.constant 0 : i32
    %scatter3A_301 = arith.constant 0 : i32
    %scatter3A_302 = tpu.memref_slice %arg8[%scatter3A_299, %scatter3A_300, %scatter3A_301] : memref<2x128x3xf32, #tpu.memory_space<vmem>> -> memref<1x128x3xf32, #tpu.memory_space<vmem>>
    %scatter3A_303 = tpu.memref_squeeze %scatter3A_302 : memref<1x128x3xf32, #tpu.memory_space<vmem>> -> memref<128x3xf32, #tpu.memory_space<vmem>>
    tpu.vector_store_idx %scatter3A_303[%add3A_292, %broadcast_in_dim3A_294], %gather3A_298 : memref<128x3xf32, #tpu.memory_space<vmem>>[vector<16xi32>, vector<16xi32>], vector<16xf32>,
    %broadcast_in_dim3A_304 = arith.constant 1 : i32
    %broadcast_in_dim3A_305 = vector.broadcast %broadcast_in_dim3A_304 : i32 to vector<16xi32>
    %add3A_306 = arith.constant 1 : i32
    %add3A_307 = vector.broadcast %add3A_306 : i32 to vector<16xi32>
    %add3A_308 = arith.addi %mul3A_289, %add3A_307 : vector<16xi32>
    %gather3A_309 = tpu.vector_load_idx %arg6[%add3A_308] : memref<3072xf32, #tpu.memory_space<vmem>>[vector<16xi32>], vector<16xf32>,
    %scatter3A_310 = arith.constant 0 : i32
    %scatter3A_311 = arith.constant 0 : i32
    %scatter3A_312 = arith.constant 0 : i32
    %scatter3A_313 = tpu.memref_slice %arg8[%scatter3A_310, %scatter3A_311, %scatter3A_312] : memref<2x128x3xf32, #tpu.memory_space<vmem>> -> memref<1x128x3xf32, #tpu.memory_space<vmem>>
    %scatter3A_314 = tpu.memref_squeeze %scatter3A_313 : memref<1x128x3xf32, #tpu.memory_space<vmem>> -> memref<128x3xf32, #tpu.memory_space<vmem>>
    tpu.vector_store_idx %scatter3A_314[%add3A_292, %broadcast_in_dim3A_305], %gather3A_309 : memref<128x3xf32, #tpu.memory_space<vmem>>[vector<16xi32>, vector<16xi32>], vector<16xf32>,
    %broadcast_in_dim3A_315 = arith.constant 2 : i32
    %broadcast_in_dim3A_316 = vector.broadcast %broadcast_in_dim3A_315 : i32 to vector<16xi32>
    %add3A_317 = arith.constant 2 : i32
    %add3A_318 = vector.broadcast %add3A_317 : i32 to vector<16xi32>
    %add3A_319 = arith.addi %mul3A_289, %add3A_318 : vector<16xi32>
    %gather3A_320 = tpu.vector_load_idx %arg6[%add3A_319] : memref<3072xf32, #tpu.memory_space<vmem>>[vector<16xi32>], vector<16xf32>,
    %scatter3A_321 = arith.constant 0 : i32
    %scatter3A_322 = arith.constant 0 : i32
    %scatter3A_323 = arith.constant 0 : i32
    %scatter3A_324 = tpu.memref_slice %arg8[%scatter3A_321, %scatter3A_322, %scatter3A_323] : memref<2x128x3xf32, #tpu.memory_space<vmem>> -> memref<1x128x3xf32, #tpu.memory_space<vmem>>
    %scatter3A_325 = tpu.memref_squeeze %scatter3A_324 : memref<1x128x3xf32, #tpu.memory_space<vmem>> -> memref<128x3xf32, #tpu.memory_space<vmem>>
    tpu.vector_store_idx %scatter3A_325[%add3A_292, %broadcast_in_dim3A_316], %gather3A_320 : memref<128x3xf32, #tpu.memory_space<vmem>>[vector<16xi32>, vector<16xi32>], vector<16xf32>,
    %get3A_326 = arith.constant 80 : index
    %get3A_327 = tpu.vector_load %arg7[%get3A_326] {strides = array<i32>} : memref<512xi32, #tpu.memory_space<vmem>>, vector<16xi32>,
    %mul3A_328 = arith.constant 3 : i32
    %mul3A_329 = vector.broadcast %mul3A_328 : i32 to vector<16xi32>
    %mul3A_330 = arith.muli %get3A_327, %mul3A_329 : vector<16xi32>
    %add3A_331 = arith.constant 80 : i32
    %add3A_332 = vector.broadcast %add3A_331 : i32 to vector<16xi32>
    %add3A_333 = arith.addi %iota3A, %add3A_332 : vector<16xi32>
    %broadcast_in_dim3A_334 = arith.constant 0 : i32
    %broadcast_in_dim3A_335 = vector.broadcast %broadcast_in_dim3A_334 : i32 to vector<16xi32>
    %add3A_336 = arith.constant 0 : i32
    %add3A_337 = vector.broadcast %add3A_336 : i32 to vector<16xi32>
    %add3A_338 = arith.addi %mul3A_330, %add3A_337 : vector<16xi32>
    %gather3A_339 = tpu.vector_load_idx %arg6[%add3A_338] : memref<3072xf32, #tpu.memory_space<vmem>>[vector<16xi32>], vector<16xf32>,
    %scatter3A_340 = arith.constant 0 : i32
    %scatter3A_341 = arith.constant 0 : i32
    %scatter3A_342 = arith.constant 0 : i32
    %scatter3A_343 = tpu.memref_slice %arg8[%scatter3A_340, %scatter3A_341, %scatter3A_342] : memref<2x128x3xf32, #tpu.memory_space<vmem>> -> memref<1x128x3xf32, #tpu.memory_space<vmem>>
    %scatter3A_344 = tpu.memref_squeeze %scatter3A_343 : memref<1x128x3xf32, #tpu.memory_space<vmem>> -> memref<128x3xf32, #tpu.memory_space<vmem>>
    tpu.vector_store_idx %scatter3A_344[%add3A_333, %broadcast_in_dim3A_335], %gather3A_339 : memref<128x3xf32, #tpu.memory_space<vmem>>[vector<16xi32>, vector<16xi32>], vector<16xf32>,
    %broadcast_in_dim3A_345 = arith.constant 1 : i32
    %broadcast_in_dim3A_346 = vector.broadcast %broadcast_in_dim3A_345 : i32 to vector<16xi32>
    %add3A_347 = arith.constant 1 : i32
    %add3A_348 = vector.broadcast %add3A_347 : i32 to vector<16xi32>
    %add3A_349 = arith.addi %mul3A_330, %add3A_348 : vector<16xi32>
    %gather3A_350 = tpu.vector_load_idx %arg6[%add3A_349] : memref<3072xf32, #tpu.memory_space<vmem>>[vector<16xi32>], vector<16xf32>,
    %scatter3A_351 = arith.constant 0 : i32
    %scatter3A_352 = arith.constant 0 : i32
    %scatter3A_353 = arith.constant 0 : i32
    %scatter3A_354 = tpu.memref_slice %arg8[%scatter3A_351, %scatter3A_352, %scatter3A_353] : memref<2x128x3xf32, #tpu.memory_space<vmem>> -> memref<1x128x3xf32, #tpu.memory_space<vmem>>
    %scatter3A_355 = tpu.memref_squeeze %scatter3A_354 : memref<1x128x3xf32, #tpu.memory_space<vmem>> -> memref<128x3xf32, #tpu.memory_space<vmem>>
    tpu.vector_store_idx %scatter3A_355[%add3A_333, %broadcast_in_dim3A_346], %gather3A_350 : memref<128x3xf32, #tpu.memory_space<vmem>>[vector<16xi32>, vector<16xi32>], vector<16xf32>,
    %broadcast_in_dim3A_356 = arith.constant 2 : i32
    %broadcast_in_dim3A_357 = vector.broadcast %broadcast_in_dim3A_356 : i32 to vector<16xi32>
    %add3A_358 = arith.constant 2 : i32
    %add3A_359 = vector.broadcast %add3A_358 : i32 to vector<16xi32>
    %add3A_360 = arith.addi %mul3A_330, %add3A_359 : vector<16xi32>
    %gather3A_361 = tpu.vector_load_idx %arg6[%add3A_360] : memref<3072xf32, #tpu.memory_space<vmem>>[vector<16xi32>], vector<16xf32>,
    %scatter3A_362 = arith.constant 0 : i32
    %scatter3A_363 = arith.constant 0 : i32
    %scatter3A_364 = arith.constant 0 : i32
    %scatter3A_365 = tpu.memref_slice %arg8[%scatter3A_362, %scatter3A_363, %scatter3A_364] : memref<2x128x3xf32, #tpu.memory_space<vmem>> -> memref<1x128x3xf32, #tpu.memory_space<vmem>>
    %scatter3A_366 = tpu.memref_squeeze %scatter3A_365 : memref<1x128x3xf32, #tpu.memory_space<vmem>> -> memref<128x3xf32, #tpu.memory_space<vmem>>
    tpu.vector_store_idx %scatter3A_366[%add3A_333, %broadcast_in_dim3A_357], %gather3A_361 : memref<128x3xf32, #tpu.memory_space<vmem>>[vector<16xi32>, vector<16xi32>], vector<16xf32>,
    %get3A_367 = arith.constant 96 : index
    %get3A_368 = tpu.vector_load %arg7[%get3A_367] {strides = array<i32>} : memref<512xi32, #tpu.memory_space<vmem>>, vector<16xi32>,
    %mul3A_369 = arith.constant 3 : i32
    %mul3A_370 = vector.broadcast %mul3A_369 : i32 to vector<16xi32>
    %mul3A_371 = arith.muli %get3A_368, %mul3A_370 : vector<16xi32>
    %add3A_372 = arith.constant 96 : i32
    %add3A_373 = vector.broadcast %add3A_372 : i32 to vector<16xi32>
    %add3A_374 = arith.addi %iota3A, %add3A_373 : vector<16xi32>
    %broadcast_in_dim3A_375 = arith.constant 0 : i32
    %broadcast_in_dim3A_376 = vector.broadcast %broadcast_in_dim3A_375 : i32 to vector<16xi32>
    %add3A_377 = arith.constant 0 : i32
    %add3A_378 = vector.broadcast %add3A_377 : i32 to vector<16xi32>
    %add3A_379 = arith.addi %mul3A_371, %add3A_378 : vector<16xi32>
    %gather3A_380 = tpu.vector_load_idx %arg6[%add3A_379] : memref<3072xf32, #tpu.memory_space<vmem>>[vector<16xi32>], vector<16xf32>,
    %scatter3A_381 = arith.constant 0 : i32
    %scatter3A_382 = arith.constant 0 : i32
    %scatter3A_383 = arith.constant 0 : i32
    %scatter3A_384 = tpu.memref_slice %arg8[%scatter3A_381, %scatter3A_382, %scatter3A_383] : memref<2x128x3xf32, #tpu.memory_space<vmem>> -> memref<1x128x3xf32, #tpu.memory_space<vmem>>
    %scatter3A_385 = tpu.memref_squeeze %scatter3A_384 : memref<1x128x3xf32, #tpu.memory_space<vmem>> -> memref<128x3xf32, #tpu.memory_space<vmem>>
    tpu.vector_store_idx %scatter3A_385[%add3A_374, %broadcast_in_dim3A_376], %gather3A_380 : memref<128x3xf32, #tpu.memory_space<vmem>>[vector<16xi32>, vector<16xi32>], vector<16xf32>,
    %broadcast_in_dim3A_386 = arith.constant 1 : i32
    %broadcast_in_dim3A_387 = vector.broadcast %broadcast_in_dim3A_386 : i32 to vector<16xi32>
    %add3A_388 = arith.constant 1 : i32
    %add3A_389 = vector.broadcast %add3A_388 : i32 to vector<16xi32>
    %add3A_390 = arith.addi %mul3A_371, %add3A_389 : vector<16xi32>
    %gather3A_391 = tpu.vector_load_idx %arg6[%add3A_390] : memref<3072xf32, #tpu.memory_space<vmem>>[vector<16xi32>], vector<16xf32>,
    %scatter3A_392 = arith.constant 0 : i32
    %scatter3A_393 = arith.constant 0 : i32
    %scatter3A_394 = arith.constant 0 : i32
    %scatter3A_395 = tpu.memref_slice %arg8[%scatter3A_392, %scatter3A_393, %scatter3A_394] : memref<2x128x3xf32, #tpu.memory_space<vmem>> -> memref<1x128x3xf32, #tpu.memory_space<vmem>>
    %scatter3A_396 = tpu.memref_squeeze %scatter3A_395 : memref<1x128x3xf32, #tpu.memory_space<vmem>> -> memref<128x3xf32, #tpu.memory_space<vmem>>
    tpu.vector_store_idx %scatter3A_396[%add3A_374, %broadcast_in_dim3A_387], %gather3A_391 : memref<128x3xf32, #tpu.memory_space<vmem>>[vector<16xi32>, vector<16xi32>], vector<16xf32>,
    %broadcast_in_dim3A_397 = arith.constant 2 : i32
    %broadcast_in_dim3A_398 = vector.broadcast %broadcast_in_dim3A_397 : i32 to vector<16xi32>
    %add3A_399 = arith.constant 2 : i32
    %add3A_400 = vector.broadcast %add3A_399 : i32 to vector<16xi32>
    %add3A_401 = arith.addi %mul3A_371, %add3A_400 : vector<16xi32>
    %gather3A_402 = tpu.vector_load_idx %arg6[%add3A_401] : memref<3072xf32, #tpu.memory_space<vmem>>[vector<16xi32>], vector<16xf32>,
    %scatter3A_403 = arith.constant 0 : i32
    %scatter3A_404 = arith.constant 0 : i32
    %scatter3A_405 = arith.constant 0 : i32
    %scatter3A_406 = tpu.memref_slice %arg8[%scatter3A_403, %scatter3A_404, %scatter3A_405] : memref<2x128x3xf32, #tpu.memory_space<vmem>> -> memref<1x128x3xf32, #tpu.memory_space<vmem>>
    %scatter3A_407 = tpu.memref_squeeze %scatter3A_406 : memref<1x128x3xf32, #tpu.memory_space<vmem>> -> memref<128x3xf32, #tpu.memory_space<vmem>>
    tpu.vector_store_idx %scatter3A_407[%add3A_374, %broadcast_in_dim3A_398], %gather3A_402 : memref<128x3xf32, #tpu.memory_space<vmem>>[vector<16xi32>, vector<16xi32>], vector<16xf32>,
    %get3A_408 = arith.constant 112 : index
    %get3A_409 = tpu.vector_load %arg7[%get3A_408] {strides = array<i32>} : memref<512xi32, #tpu.memory_space<vmem>>, vector<16xi32>,
    %mul3A_410 = arith.constant 3 : i32
    %mul3A_411 = vector.broadcast %mul3A_410 : i32 to vector<16xi32>
    %mul3A_412 = arith.muli %get3A_409, %mul3A_411 : vector<16xi32>
    %add3A_413 = arith.constant 112 : i32
    %add3A_414 = vector.broadcast %add3A_413 : i32 to vector<16xi32>
    %add3A_415 = arith.addi %iota3A, %add3A_414 : vector<16xi32>
    %broadcast_in_dim3A_416 = arith.constant 0 : i32
    %broadcast_in_dim3A_417 = vector.broadcast %broadcast_in_dim3A_416 : i32 to vector<16xi32>
    %add3A_418 = arith.constant 0 : i32
    %add3A_419 = vector.broadcast %add3A_418 : i32 to vector<16xi32>
    %add3A_420 = arith.addi %mul3A_412, %add3A_419 : vector<16xi32>
    %gather3A_421 = tpu.vector_load_idx %arg6[%add3A_420] : memref<3072xf32, #tpu.memory_space<vmem>>[vector<16xi32>], vector<16xf32>,
    %scatter3A_422 = arith.constant 0 : i32
    %scatter3A_423 = arith.constant 0 : i32
    %scatter3A_424 = arith.constant 0 : i32
    %scatter3A_425 = tpu.memref_slice %arg8[%scatter3A_422, %scatter3A_423, %scatter3A_424] : memref<2x128x3xf32, #tpu.memory_space<vmem>> -> memref<1x128x3xf32, #tpu.memory_space<vmem>>
    %scatter3A_426 = tpu.memref_squeeze %scatter3A_425 : memref<1x128x3xf32, #tpu.memory_space<vmem>> -> memref<128x3xf32, #tpu.memory_space<vmem>>
    tpu.vector_store_idx %scatter3A_426[%add3A_415, %broadcast_in_dim3A_417], %gather3A_421 : memref<128x3xf32, #tpu.memory_space<vmem>>[vector<16xi32>, vector<16xi32>], vector<16xf32>,
    %broadcast_in_dim3A_427 = arith.constant 1 : i32
    %broadcast_in_dim3A_428 = vector.broadcast %broadcast_in_dim3A_427 : i32 to vector<16xi32>
    %add3A_429 = arith.constant 1 : i32
    %add3A_430 = vector.broadcast %add3A_429 : i32 to vector<16xi32>
    %add3A_431 = arith.addi %mul3A_412, %add3A_430 : vector<16xi32>
    %gather3A_432 = tpu.vector_load_idx %arg6[%add3A_431] : memref<3072xf32, #tpu.memory_space<vmem>>[vector<16xi32>], vector<16xf32>,
    %scatter3A_433 = arith.constant 0 : i32
    %scatter3A_434 = arith.constant 0 : i32
    %scatter3A_435 = arith.constant 0 : i32
    %scatter3A_436 = tpu.memref_slice %arg8[%scatter3A_433, %scatter3A_434, %scatter3A_435] : memref<2x128x3xf32, #tpu.memory_space<vmem>> -> memref<1x128x3xf32, #tpu.memory_space<vmem>>
    %scatter3A_437 = tpu.memref_squeeze %scatter3A_436 : memref<1x128x3xf32, #tpu.memory_space<vmem>> -> memref<128x3xf32, #tpu.memory_space<vmem>>
    tpu.vector_store_idx %scatter3A_437[%add3A_415, %broadcast_in_dim3A_428], %gather3A_432 : memref<128x3xf32, #tpu.memory_space<vmem>>[vector<16xi32>, vector<16xi32>], vector<16xf32>,
    %broadcast_in_dim3A_438 = arith.constant 2 : i32
    %broadcast_in_dim3A_439 = vector.broadcast %broadcast_in_dim3A_438 : i32 to vector<16xi32>
    %add3A_440 = arith.constant 2 : i32
    %add3A_441 = vector.broadcast %add3A_440 : i32 to vector<16xi32>
    %add3A_442 = arith.addi %mul3A_412, %add3A_441 : vector<16xi32>
    %gather3A_443 = tpu.vector_load_idx %arg6[%add3A_442] : memref<3072xf32, #tpu.memory_space<vmem>>[vector<16xi32>], vector<16xf32>,
    %scatter3A_444 = arith.constant 0 : i32
    %scatter3A_445 = arith.constant 0 : i32
    %scatter3A_446 = arith.constant 0 : i32
    %scatter3A_447 = tpu.memref_slice %arg8[%scatter3A_444, %scatter3A_445, %scatter3A_446] : memref<2x128x3xf32, #tpu.memory_space<vmem>> -> memref<1x128x3xf32, #tpu.memory_space<vmem>>
    %scatter3A_448 = tpu.memref_squeeze %scatter3A_447 : memref<1x128x3xf32, #tpu.memory_space<vmem>> -> memref<128x3xf32, #tpu.memory_space<vmem>>
    tpu.vector_store_idx %scatter3A_448[%add3A_415, %broadcast_in_dim3A_439], %gather3A_443 : memref<128x3xf32, #tpu.memory_space<vmem>>[vector<16xi32>, vector<16xi32>], vector<16xf32>,
    %add3A_449 = arith.constant 0 : i32
    %add3A_450 = arith.addi %mul3A_2, %add3A_449 : i32
    %dma_start3A_451 = arith.constant 0 : i32
    %dma_start3A_452 = arith.constant 0 : i32
    %dma_start3A_453 = arith.constant 0 : i32
    %dma_start3A_454 = arith.constant 0 : i32
    %dma_start3A_455 = tpu.memref_slice %arg8[%dma_start3A_451, %dma_start3A_453, %dma_start3A_454] : memref<2x128x3xf32, #tpu.memory_space<vmem>> -> memref<1x128x3xf32, #tpu.memory_space<vmem>>
    %dma_start3A_456 = tpu.memref_squeeze %dma_start3A_455 : memref<1x128x3xf32, #tpu.memory_space<vmem>> -> memref<128x3xf32, #tpu.memory_space<vmem>>
    %dma_start3A_457 = arith.constant 0 : i32
    %dma_start3A_458 = tpu.memref_slice %arg4[%add3A_450, %dma_start3A_457] : memref<16384x3xf32, #tpu.memory_space<hbm>> -> memref<128x3xf32, #tpu.memory_space<hbm>>
    %dma_start3A_459 = tpu.memref_slice %arg11[%dma_start3A_452] : memref<2x!tpu.dma_semaphore, #tpu.memory_space<semaphore_mem>> -> memref<1x!tpu.dma_semaphore, #tpu.memory_space<semaphore_mem>>
    %dma_start3A_460 = tpu.memref_squeeze %dma_start3A_459 : memref<1x!tpu.dma_semaphore, #tpu.memory_space<semaphore_mem>> -> memref<!tpu.dma_semaphore, #tpu.memory_space<semaphore_mem>>
    %dma_start3A_461 = arith.constant 0 : i32
    %dma_start3A_462 = tpu.memref_slice %arg4[%add3A_450, %dma_start3A_461] : memref<16384x3xf32, #tpu.memory_space<hbm>> -> memref<128x3xf32, #tpu.memory_space<hbm>>
    %dma_start3A_463 = arith.constant 0 : i32
    %dma_start3A_464 = arith.constant 0 : i32
    %dma_start3A_465 = tpu.memref_slice %arg8[%dma_start3A_451, %dma_start3A_463, %dma_start3A_464] : memref<2x128x3xf32, #tpu.memory_space<vmem>> -> memref<1x128x3xf32, #tpu.memory_space<vmem>>
    %dma_start3A_466 = tpu.memref_squeeze %dma_start3A_465 : memref<1x128x3xf32, #tpu.memory_space<vmem>> -> memref<128x3xf32, #tpu.memory_space<vmem>>
    tpu.enqueue_dma source(%dma_start3A_466 : memref<128x3xf32, #tpu.memory_space<vmem>>) target(%dma_start3A_462 : memref<128x3xf32, #tpu.memory_space<hbm>>) target_semaphore(%dma_start3A_460 : memref<!tpu.dma_semaphore, #tpu.memory_space<semaphore_mem>>)
    %get3A_467 = arith.constant 128 : index
    %get3A_468 = tpu.vector_load %arg7[%get3A_467] {strides = array<i32>} : memref<512xi32, #tpu.memory_space<vmem>>, vector<16xi32>,
    %mul3A_469 = arith.constant 3 : i32
    %mul3A_470 = vector.broadcast %mul3A_469 : i32 to vector<16xi32>
    %mul3A_471 = arith.muli %get3A_468, %mul3A_470 : vector<16xi32>
    %add3A_472 = arith.constant 0 : i32
    %add3A_473 = vector.broadcast %add3A_472 : i32 to vector<16xi32>
    %add3A_474 = arith.addi %iota3A, %add3A_473 : vector<16xi32>
    %broadcast_in_dim3A_475 = arith.constant 0 : i32
    %broadcast_in_dim3A_476 = vector.broadcast %broadcast_in_dim3A_475 : i32 to vector<16xi32>
    %add3A_477 = arith.constant 0 : i32
    %add3A_478 = vector.broadcast %add3A_477 : i32 to vector<16xi32>
    %add3A_479 = arith.addi %mul3A_471, %add3A_478 : vector<16xi32>
    %gather3A_480 = tpu.vector_load_idx %arg6[%add3A_479] : memref<3072xf32, #tpu.memory_space<vmem>>[vector<16xi32>], vector<16xf32>,
    %scatter3A_481 = arith.constant 1 : i32
    %scatter3A_482 = arith.constant 0 : i32
    %scatter3A_483 = arith.constant 0 : i32
    %scatter3A_484 = tpu.memref_slice %arg8[%scatter3A_481, %scatter3A_482, %scatter3A_483] : memref<2x128x3xf32, #tpu.memory_space<vmem>> -> memref<1x128x3xf32, #tpu.memory_space<vmem>>
    %scatter3A_485 = tpu.memref_squeeze %scatter3A_484 : memref<1x128x3xf32, #tpu.memory_space<vmem>> -> memref<128x3xf32, #tpu.memory_space<vmem>>
    tpu.vector_store_idx %scatter3A_485[%add3A_474, %broadcast_in_dim3A_476], %gather3A_480 : memref<128x3xf32, #tpu.memory_space<vmem>>[vector<16xi32>, vector<16xi32>], vector<16xf32>,
    %broadcast_in_dim3A_486 = arith.constant 1 : i32
    %broadcast_in_dim3A_487 = vector.broadcast %broadcast_in_dim3A_486 : i32 to vector<16xi32>
    %add3A_488 = arith.constant 1 : i32
    %add3A_489 = vector.broadcast %add3A_488 : i32 to vector<16xi32>
    %add3A_490 = arith.addi %mul3A_471, %add3A_489 : vector<16xi32>
    %gather3A_491 = tpu.vector_load_idx %arg6[%add3A_490] : memref<3072xf32, #tpu.memory_space<vmem>>[vector<16xi32>], vector<16xf32>,
    %scatter3A_492 = arith.constant 1 : i32
    %scatter3A_493 = arith.constant 0 : i32
    %scatter3A_494 = arith.constant 0 : i32
    %scatter3A_495 = tpu.memref_slice %arg8[%scatter3A_492, %scatter3A_493, %scatter3A_494] : memref<2x128x3xf32, #tpu.memory_space<vmem>> -> memref<1x128x3xf32, #tpu.memory_space<vmem>>
    %scatter3A_496 = tpu.memref_squeeze %scatter3A_495 : memref<1x128x3xf32, #tpu.memory_space<vmem>> -> memref<128x3xf32, #tpu.memory_space<vmem>>
    tpu.vector_store_idx %scatter3A_496[%add3A_474, %broadcast_in_dim3A_487], %gather3A_491 : memref<128x3xf32, #tpu.memory_space<vmem>>[vector<16xi32>, vector<16xi32>], vector<16xf32>,
    %broadcast_in_dim3A_497 = arith.constant 2 : i32
    %broadcast_in_dim3A_498 = vector.broadcast %broadcast_in_dim3A_497 : i32 to vector<16xi32>
    %add3A_499 = arith.constant 2 : i32
    %add3A_500 = vector.broadcast %add3A_499 : i32 to vector<16xi32>
    %add3A_501 = arith.addi %mul3A_471, %add3A_500 : vector<16xi32>
    %gather3A_502 = tpu.vector_load_idx %arg6[%add3A_501] : memref<3072xf32, #tpu.memory_space<vmem>>[vector<16xi32>], vector<16xf32>,
    %scatter3A_503 = arith.constant 1 : i32
    %scatter3A_504 = arith.constant 0 : i32
    %scatter3A_505 = arith.constant 0 : i32
    %scatter3A_506 = tpu.memref_slice %arg8[%scatter3A_503, %scatter3A_504, %scatter3A_505] : memref<2x128x3xf32, #tpu.memory_space<vmem>> -> memref<1x128x3xf32, #tpu.memory_space<vmem>>
    %scatter3A_507 = tpu.memref_squeeze %scatter3A_506 : memref<1x128x3xf32, #tpu.memory_space<vmem>> -> memref<128x3xf32, #tpu.memory_space<vmem>>
    tpu.vector_store_idx %scatter3A_507[%add3A_474, %broadcast_in_dim3A_498], %gather3A_502 : memref<128x3xf32, #tpu.memory_space<vmem>>[vector<16xi32>, vector<16xi32>], vector<16xf32>,
    %get3A_508 = arith.constant 144 : index
    %get3A_509 = tpu.vector_load %arg7[%get3A_508] {strides = array<i32>} : memref<512xi32, #tpu.memory_space<vmem>>, vector<16xi32>,
    %mul3A_510 = arith.constant 3 : i32
    %mul3A_511 = vector.broadcast %mul3A_510 : i32 to vector<16xi32>
    %mul3A_512 = arith.muli %get3A_509, %mul3A_511 : vector<16xi32>
    %add3A_513 = arith.constant 16 : i32
    %add3A_514 = vector.broadcast %add3A_513 : i32 to vector<16xi32>
    %add3A_515 = arith.addi %iota3A, %add3A_514 : vector<16xi32>
    %broadcast_in_dim3A_516 = arith.constant 0 : i32
    %broadcast_in_dim3A_517 = vector.broadcast %broadcast_in_dim3A_516 : i32 to vector<16xi32>
    %add3A_518 = arith.constant 0 : i32
    %add3A_519 = vector.broadcast %add3A_518 : i32 to vector<16xi32>
    %add3A_520 = arith.addi %mul3A_512, %add3A_519 : vector<16xi32>
    %gather3A_521 = tpu.vector_load_idx %arg6[%add3A_520] : memref<3072xf32, #tpu.memory_space<vmem>>[vector<16xi32>], vector<16xf32>,
    %scatter3A_522 = arith.constant 1 : i32
    %scatter3A_523 = arith.constant 0 : i32
    %scatter3A_524 = arith.constant 0 : i32
    %scatter3A_525 = tpu.memref_slice %arg8[%scatter3A_522, %scatter3A_523, %scatter3A_524] : memref<2x128x3xf32, #tpu.memory_space<vmem>> -> memref<1x128x3xf32, #tpu.memory_space<vmem>>
    %scatter3A_526 = tpu.memref_squeeze %scatter3A_525 : memref<1x128x3xf32, #tpu.memory_space<vmem>> -> memref<128x3xf32, #tpu.memory_space<vmem>>
    tpu.vector_store_idx %scatter3A_526[%add3A_515, %broadcast_in_dim3A_517], %gather3A_521 : memref<128x3xf32, #tpu.memory_space<vmem>>[vector<16xi32>, vector<16xi32>], vector<16xf32>,
    %broadcast_in_dim3A_527 = arith.constant 1 : i32
    %broadcast_in_dim3A_528 = vector.broadcast %broadcast_in_dim3A_527 : i32 to vector<16xi32>
    %add3A_529 = arith.constant 1 : i32
    %add3A_530 = vector.broadcast %add3A_529 : i32 to vector<16xi32>
    %add3A_531 = arith.addi %mul3A_512, %add3A_530 : vector<16xi32>
    %gather3A_532 = tpu.vector_load_idx %arg6[%add3A_531] : memref<3072xf32, #tpu.memory_space<vmem>>[vector<16xi32>], vector<16xf32>,
    %scatter3A_533 = arith.constant 1 : i32
    %scatter3A_534 = arith.constant 0 : i32
    %scatter3A_535 = arith.constant 0 : i32
    %scatter3A_536 = tpu.memref_slice %arg8[%scatter3A_533, %scatter3A_534, %scatter3A_535] : memref<2x128x3xf32, #tpu.memory_space<vmem>> -> memref<1x128x3xf32, #tpu.memory_space<vmem>>
    %scatter3A_537 = tpu.memref_squeeze %scatter3A_536 : memref<1x128x3xf32, #tpu.memory_space<vmem>> -> memref<128x3xf32, #tpu.memory_space<vmem>>
    tpu.vector_store_idx %scatter3A_537[%add3A_515, %broadcast_in_dim3A_528], %gather3A_532 : memref<128x3xf32, #tpu.memory_space<vmem>>[vector<16xi32>, vector<16xi32>], vector<16xf32>,
    %broadcast_in_dim3A_538 = arith.constant 2 : i32
    %broadcast_in_dim3A_539 = vector.broadcast %broadcast_in_dim3A_538 : i32 to vector<16xi32>
    %add3A_540 = arith.constant 2 : i32
    %add3A_541 = vector.broadcast %add3A_540 : i32 to vector<16xi32>
    %add3A_542 = arith.addi %mul3A_512, %add3A_541 : vector<16xi32>
    %gather3A_543 = tpu.vector_load_idx %arg6[%add3A_542] : memref<3072xf32, #tpu.memory_space<vmem>>[vector<16xi32>], vector<16xf32>,
    %scatter3A_544 = arith.constant 1 : i32
    %scatter3A_545 = arith.constant 0 : i32
    %scatter3A_546 = arith.constant 0 : i32
    %scatter3A_547 = tpu.memref_slice %arg8[%scatter3A_544, %scatter3A_545, %scatter3A_546] : memref<2x128x3xf32, #tpu.memory_space<vmem>> -> memref<1x128x3xf32, #tpu.memory_space<vmem>>
    %scatter3A_548 = tpu.memref_squeeze %scatter3A_547 : memref<1x128x3xf32, #tpu.memory_space<vmem>> -> memref<128x3xf32, #tpu.memory_space<vmem>>
    tpu.vector_store_idx %scatter3A_548[%add3A_515, %broadcast_in_dim3A_539], %gather3A_543 : memref<128x3xf32, #tpu.memory_space<vmem>>[vector<16xi32>, vector<16xi32>], vector<16xf32>,
    %get3A_549 = arith.constant 160 : index
    %get3A_550 = tpu.vector_load %arg7[%get3A_549] {strides = array<i32>} : memref<512xi32, #tpu.memory_space<vmem>>, vector<16xi32>,
    %mul3A_551 = arith.constant 3 : i32
    %mul3A_552 = vector.broadcast %mul3A_551 : i32 to vector<16xi32>
    %mul3A_553 = arith.muli %get3A_550, %mul3A_552 : vector<16xi32>
    %add3A_554 = arith.constant 32 : i32
    %add3A_555 = vector.broadcast %add3A_554 : i32 to vector<16xi32>
    %add3A_556 = arith.addi %iota3A, %add3A_555 : vector<16xi32>
    %broadcast_in_dim3A_557 = arith.constant 0 : i32
    %broadcast_in_dim3A_558 = vector.broadcast %broadcast_in_dim3A_557 : i32 to vector<16xi32>
    %add3A_559 = arith.constant 0 : i32
    %add3A_560 = vector.broadcast %add3A_559 : i32 to vector<16xi32>
    %add3A_561 = arith.addi %mul3A_553, %add3A_560 : vector<16xi32>
    %gather3A_562 = tpu.vector_load_idx %arg6[%add3A_561] : memref<3072xf32, #tpu.memory_space<vmem>>[vector<16xi32>], vector<16xf32>,
    %scatter3A_563 = arith.constant 1 : i32
    %scatter3A_564 = arith.constant 0 : i32
    %scatter3A_565 = arith.constant 0 : i32
    %scatter3A_566 = tpu.memref_slice %arg8[%scatter3A_563, %scatter3A_564, %scatter3A_565] : memref<2x128x3xf32, #tpu.memory_space<vmem>> -> memref<1x128x3xf32, #tpu.memory_space<vmem>>
    %scatter3A_567 = tpu.memref_squeeze %scatter3A_566 : memref<1x128x3xf32, #tpu.memory_space<vmem>> -> memref<128x3xf32, #tpu.memory_space<vmem>>
    tpu.vector_store_idx %scatter3A_567[%add3A_556, %broadcast_in_dim3A_558], %gather3A_562 : memref<128x3xf32, #tpu.memory_space<vmem>>[vector<16xi32>, vector<16xi32>], vector<16xf32>,
    %broadcast_in_dim3A_568 = arith.constant 1 : i32
    %broadcast_in_dim3A_569 = vector.broadcast %broadcast_in_dim3A_568 : i32 to vector<16xi32>
    %add3A_570 = arith.constant 1 : i32
    %add3A_571 = vector.broadcast %add3A_570 : i32 to vector<16xi32>
    %add3A_572 = arith.addi %mul3A_553, %add3A_571 : vector<16xi32>
    %gather3A_573 = tpu.vector_load_idx %arg6[%add3A_572] : memref<3072xf32, #tpu.memory_space<vmem>>[vector<16xi32>], vector<16xf32>,
    %scatter3A_574 = arith.constant 1 : i32
    %scatter3A_575 = arith.constant 0 : i32
    %scatter3A_576 = arith.constant 0 : i32
    %scatter3A_577 = tpu.memref_slice %arg8[%scatter3A_574, %scatter3A_575, %scatter3A_576] : memref<2x128x3xf32, #tpu.memory_space<vmem>> -> memref<1x128x3xf32, #tpu.memory_space<vmem>>
    %scatter3A_578 = tpu.memref_squeeze %scatter3A_577 : memref<1x128x3xf32, #tpu.memory_space<vmem>> -> memref<128x3xf32, #tpu.memory_space<vmem>>
    tpu.vector_store_idx %scatter3A_578[%add3A_556, %broadcast_in_dim3A_569], %gather3A_573 : memref<128x3xf32, #tpu.memory_space<vmem>>[vector<16xi32>, vector<16xi32>], vector<16xf32>,
    %broadcast_in_dim3A_579 = arith.constant 2 : i32
    %broadcast_in_dim3A_580 = vector.broadcast %broadcast_in_dim3A_579 : i32 to vector<16xi32>
    %add3A_581 = arith.constant 2 : i32
    %add3A_582 = vector.broadcast %add3A_581 : i32 to vector<16xi32>
    %add3A_583 = arith.addi %mul3A_553, %add3A_582 : vector<16xi32>
    %gather3A_584 = tpu.vector_load_idx %arg6[%add3A_583] : memref<3072xf32, #tpu.memory_space<vmem>>[vector<16xi32>], vector<16xf32>,
    %scatter3A_585 = arith.constant 1 : i32
    %scatter3A_586 = arith.constant 0 : i32
    %scatter3A_587 = arith.constant 0 : i32
    %scatter3A_588 = tpu.memref_slice %arg8[%scatter3A_585, %scatter3A_586, %scatter3A_587] : memref<2x128x3xf32, #tpu.memory_space<vmem>> -> memref<1x128x3xf32, #tpu.memory_space<vmem>>
    %scatter3A_589 = tpu.memref_squeeze %scatter3A_588 : memref<1x128x3xf32, #tpu.memory_space<vmem>> -> memref<128x3xf32, #tpu.memory_space<vmem>>
    tpu.vector_store_idx %scatter3A_589[%add3A_556, %broadcast_in_dim3A_580], %gather3A_584 : memref<128x3xf32, #tpu.memory_space<vmem>>[vector<16xi32>, vector<16xi32>], vector<16xf32>,
    %get3A_590 = arith.constant 176 : index
    %get3A_591 = tpu.vector_load %arg7[%get3A_590] {strides = array<i32>} : memref<512xi32, #tpu.memory_space<vmem>>, vector<16xi32>,
    %mul3A_592 = arith.constant 3 : i32
    %mul3A_593 = vector.broadcast %mul3A_592 : i32 to vector<16xi32>
    %mul3A_594 = arith.muli %get3A_591, %mul3A_593 : vector<16xi32>
    %add3A_595 = arith.constant 48 : i32
    %add3A_596 = vector.broadcast %add3A_595 : i32 to vector<16xi32>
    %add3A_597 = arith.addi %iota3A, %add3A_596 : vector<16xi32>
    %broadcast_in_dim3A_598 = arith.constant 0 : i32
    %broadcast_in_dim3A_599 = vector.broadcast %broadcast_in_dim3A_598 : i32 to vector<16xi32>
    %add3A_600 = arith.constant 0 : i32
    %add3A_601 = vector.broadcast %add3A_600 : i32 to vector<16xi32>
    %add3A_602 = arith.addi %mul3A_594, %add3A_601 : vector<16xi32>
    %gather3A_603 = tpu.vector_load_idx %arg6[%add3A_602] : memref<3072xf32, #tpu.memory_space<vmem>>[vector<16xi32>], vector<16xf32>,
    %scatter3A_604 = arith.constant 1 : i32
    %scatter3A_605 = arith.constant 0 : i32
    %scatter3A_606 = arith.constant 0 : i32
    %scatter3A_607 = tpu.memref_slice %arg8[%scatter3A_604, %scatter3A_605, %scatter3A_606] : memref<2x128x3xf32, #tpu.memory_space<vmem>> -> memref<1x128x3xf32, #tpu.memory_space<vmem>>
    %scatter3A_608 = tpu.memref_squeeze %scatter3A_607 : memref<1x128x3xf32, #tpu.memory_space<vmem>> -> memref<128x3xf32, #tpu.memory_space<vmem>>
    tpu.vector_store_idx %scatter3A_608[%add3A_597, %broadcast_in_dim3A_599], %gather3A_603 : memref<128x3xf32, #tpu.memory_space<vmem>>[vector<16xi32>, vector<16xi32>], vector<16xf32>,
    %broadcast_in_dim3A_609 = arith.constant 1 : i32
    %broadcast_in_dim3A_610 = vector.broadcast %broadcast_in_dim3A_609 : i32 to vector<16xi32>
    %add3A_611 = arith.constant 1 : i32
    %add3A_612 = vector.broadcast %add3A_611 : i32 to vector<16xi32>
    %add3A_613 = arith.addi %mul3A_594, %add3A_612 : vector<16xi32>
    %gather3A_614 = tpu.vector_load_idx %arg6[%add3A_613] : memref<3072xf32, #tpu.memory_space<vmem>>[vector<16xi32>], vector<16xf32>,
    %scatter3A_615 = arith.constant 1 : i32
    %scatter3A_616 = arith.constant 0 : i32
    %scatter3A_617 = arith.constant 0 : i32
    %scatter3A_618 = tpu.memref_slice %arg8[%scatter3A_615, %scatter3A_616, %scatter3A_617] : memref<2x128x3xf32, #tpu.memory_space<vmem>> -> memref<1x128x3xf32, #tpu.memory_space<vmem>>
    %scatter3A_619 = tpu.memref_squeeze %scatter3A_618 : memref<1x128x3xf32, #tpu.memory_space<vmem>> -> memref<128x3xf32, #tpu.memory_space<vmem>>
    tpu.vector_store_idx %scatter3A_619[%add3A_597, %broadcast_in_dim3A_610], %gather3A_614 : memref<128x3xf32, #tpu.memory_space<vmem>>[vector<16xi32>, vector<16xi32>], vector<16xf32>,
    %broadcast_in_dim3A_620 = arith.constant 2 : i32
    %broadcast_in_dim3A_621 = vector.broadcast %broadcast_in_dim3A_620 : i32 to vector<16xi32>
    %add3A_622 = arith.constant 2 : i32
    %add3A_623 = vector.broadcast %add3A_622 : i32 to vector<16xi32>
    %add3A_624 = arith.addi %mul3A_594, %add3A_623 : vector<16xi32>
    %gather3A_625 = tpu.vector_load_idx %arg6[%add3A_624] : memref<3072xf32, #tpu.memory_space<vmem>>[vector<16xi32>], vector<16xf32>,
    %scatter3A_626 = arith.constant 1 : i32
    %scatter3A_627 = arith.constant 0 : i32
    %scatter3A_628 = arith.constant 0 : i32
    %scatter3A_629 = tpu.memref_slice %arg8[%scatter3A_626, %scatter3A_627, %scatter3A_628] : memref<2x128x3xf32, #tpu.memory_space<vmem>> -> memref<1x128x3xf32, #tpu.memory_space<vmem>>
    %scatter3A_630 = tpu.memref_squeeze %scatter3A_629 : memref<1x128x3xf32, #tpu.memory_space<vmem>> -> memref<128x3xf32, #tpu.memory_space<vmem>>
    tpu.vector_store_idx %scatter3A_630[%add3A_597, %broadcast_in_dim3A_621], %gather3A_625 : memref<128x3xf32, #tpu.memory_space<vmem>>[vector<16xi32>, vector<16xi32>], vector<16xf32>,
    %get3A_631 = arith.constant 192 : index
    %get3A_632 = tpu.vector_load %arg7[%get3A_631] {strides = array<i32>} : memref<512xi32, #tpu.memory_space<vmem>>, vector<16xi32>,
    %mul3A_633 = arith.constant 3 : i32
    %mul3A_634 = vector.broadcast %mul3A_633 : i32 to vector<16xi32>
    %mul3A_635 = arith.muli %get3A_632, %mul3A_634 : vector<16xi32>
    %add3A_636 = arith.constant 64 : i32
    %add3A_637 = vector.broadcast %add3A_636 : i32 to vector<16xi32>
    %add3A_638 = arith.addi %iota3A, %add3A_637 : vector<16xi32>
    %broadcast_in_dim3A_639 = arith.constant 0 : i32
    %broadcast_in_dim3A_640 = vector.broadcast %broadcast_in_dim3A_639 : i32 to vector<16xi32>
    %add3A_641 = arith.constant 0 : i32
    %add3A_642 = vector.broadcast %add3A_641 : i32 to vector<16xi32>
    %add3A_643 = arith.addi %mul3A_635, %add3A_642 : vector<16xi32>
    %gather3A_644 = tpu.vector_load_idx %arg6[%add3A_643] : memref<3072xf32, #tpu.memory_space<vmem>>[vector<16xi32>], vector<16xf32>,
    %scatter3A_645 = arith.constant 1 : i32
    %scatter3A_646 = arith.constant 0 : i32
    %scatter3A_647 = arith.constant 0 : i32
    %scatter3A_648 = tpu.memref_slice %arg8[%scatter3A_645, %scatter3A_646, %scatter3A_647] : memref<2x128x3xf32, #tpu.memory_space<vmem>> -> memref<1x128x3xf32, #tpu.memory_space<vmem>>
    %scatter3A_649 = tpu.memref_squeeze %scatter3A_648 : memref<1x128x3xf32, #tpu.memory_space<vmem>> -> memref<128x3xf32, #tpu.memory_space<vmem>>
    tpu.vector_store_idx %scatter3A_649[%add3A_638, %broadcast_in_dim3A_640], %gather3A_644 : memref<128x3xf32, #tpu.memory_space<vmem>>[vector<16xi32>, vector<16xi32>], vector<16xf32>,
    %broadcast_in_dim3A_650 = arith.constant 1 : i32
    %broadcast_in_dim3A_651 = vector.broadcast %broadcast_in_dim3A_650 : i32 to vector<16xi32>
    %add3A_652 = arith.constant 1 : i32
    %add3A_653 = vector.broadcast %add3A_652 : i32 to vector<16xi32>
    %add3A_654 = arith.addi %mul3A_635, %add3A_653 : vector<16xi32>
    %gather3A_655 = tpu.vector_load_idx %arg6[%add3A_654] : memref<3072xf32, #tpu.memory_space<vmem>>[vector<16xi32>], vector<16xf32>,
    %scatter3A_656 = arith.constant 1 : i32
    %scatter3A_657 = arith.constant 0 : i32
    %scatter3A_658 = arith.constant 0 : i32
    %scatter3A_659 = tpu.memref_slice %arg8[%scatter3A_656, %scatter3A_657, %scatter3A_658] : memref<2x128x3xf32, #tpu.memory_space<vmem>> -> memref<1x128x3xf32, #tpu.memory_space<vmem>>
    %scatter3A_660 = tpu.memref_squeeze %scatter3A_659 : memref<1x128x3xf32, #tpu.memory_space<vmem>> -> memref<128x3xf32, #tpu.memory_space<vmem>>
    tpu.vector_store_idx %scatter3A_660[%add3A_638, %broadcast_in_dim3A_651], %gather3A_655 : memref<128x3xf32, #tpu.memory_space<vmem>>[vector<16xi32>, vector<16xi32>], vector<16xf32>,
    %broadcast_in_dim3A_661 = arith.constant 2 : i32
    %broadcast_in_dim3A_662 = vector.broadcast %broadcast_in_dim3A_661 : i32 to vector<16xi32>
    %add3A_663 = arith.constant 2 : i32
    %add3A_664 = vector.broadcast %add3A_663 : i32 to vector<16xi32>
    %add3A_665 = arith.addi %mul3A_635, %add3A_664 : vector<16xi32>
    %gather3A_666 = tpu.vector_load_idx %arg6[%add3A_665] : memref<3072xf32, #tpu.memory_space<vmem>>[vector<16xi32>], vector<16xf32>,
    %scatter3A_667 = arith.constant 1 : i32
    %scatter3A_668 = arith.constant 0 : i32
    %scatter3A_669 = arith.constant 0 : i32
    %scatter3A_670 = tpu.memref_slice %arg8[%scatter3A_667, %scatter3A_668, %scatter3A_669] : memref<2x128x3xf32, #tpu.memory_space<vmem>> -> memref<1x128x3xf32, #tpu.memory_space<vmem>>
    %scatter3A_671 = tpu.memref_squeeze %scatter3A_670 : memref<1x128x3xf32, #tpu.memory_space<vmem>> -> memref<128x3xf32, #tpu.memory_space<vmem>>
    tpu.vector_store_idx %scatter3A_671[%add3A_638, %broadcast_in_dim3A_662], %gather3A_666 : memref<128x3xf32, #tpu.memory_space<vmem>>[vector<16xi32>, vector<16xi32>], vector<16xf32>,
    %get3A_672 = arith.constant 208 : index
    %get3A_673 = tpu.vector_load %arg7[%get3A_672] {strides = array<i32>} : memref<512xi32, #tpu.memory_space<vmem>>, vector<16xi32>,
    %mul3A_674 = arith.constant 3 : i32
    %mul3A_675 = vector.broadcast %mul3A_674 : i32 to vector<16xi32>
    %mul3A_676 = arith.muli %get3A_673, %mul3A_675 : vector<16xi32>
    %add3A_677 = arith.constant 80 : i32
    %add3A_678 = vector.broadcast %add3A_677 : i32 to vector<16xi32>
    %add3A_679 = arith.addi %iota3A, %add3A_678 : vector<16xi32>
    %broadcast_in_dim3A_680 = arith.constant 0 : i32
    %broadcast_in_dim3A_681 = vector.broadcast %broadcast_in_dim3A_680 : i32 to vector<16xi32>
    %add3A_682 = arith.constant 0 : i32
    %add3A_683 = vector.broadcast %add3A_682 : i32 to vector<16xi32>
    %add3A_684 = arith.addi %mul3A_676, %add3A_683 : vector<16xi32>
    %gather3A_685 = tpu.vector_load_idx %arg6[%add3A_684] : memref<3072xf32, #tpu.memory_space<vmem>>[vector<16xi32>], vector<16xf32>,
    %scatter3A_686 = arith.constant 1 : i32
    %scatter3A_687 = arith.constant 0 : i32
    %scatter3A_688 = arith.constant 0 : i32
    %scatter3A_689 = tpu.memref_slice %arg8[%scatter3A_686, %scatter3A_687, %scatter3A_688] : memref<2x128x3xf32, #tpu.memory_space<vmem>> -> memref<1x128x3xf32, #tpu.memory_space<vmem>>
    %scatter3A_690 = tpu.memref_squeeze %scatter3A_689 : memref<1x128x3xf32, #tpu.memory_space<vmem>> -> memref<128x3xf32, #tpu.memory_space<vmem>>
    tpu.vector_store_idx %scatter3A_690[%add3A_679, %broadcast_in_dim3A_681], %gather3A_685 : memref<128x3xf32, #tpu.memory_space<vmem>>[vector<16xi32>, vector<16xi32>], vector<16xf32>,
    %broadcast_in_dim3A_691 = arith.constant 1 : i32
    %broadcast_in_dim3A_692 = vector.broadcast %broadcast_in_dim3A_691 : i32 to vector<16xi32>
    %add3A_693 = arith.constant 1 : i32
    %add3A_694 = vector.broadcast %add3A_693 : i32 to vector<16xi32>
    %add3A_695 = arith.addi %mul3A_676, %add3A_694 : vector<16xi32>
    %gather3A_696 = tpu.vector_load_idx %arg6[%add3A_695] : memref<3072xf32, #tpu.memory_space<vmem>>[vector<16xi32>], vector<16xf32>,
    %scatter3A_697 = arith.constant 1 : i32
    %scatter3A_698 = arith.constant 0 : i32
    %scatter3A_699 = arith.constant 0 : i32
    %scatter3A_700 = tpu.memref_slice %arg8[%scatter3A_697, %scatter3A_698, %scatter3A_699] : memref<2x128x3xf32, #tpu.memory_space<vmem>> -> memref<1x128x3xf32, #tpu.memory_space<vmem>>
    %scatter3A_701 = tpu.memref_squeeze %scatter3A_700 : memref<1x128x3xf32, #tpu.memory_space<vmem>> -> memref<128x3xf32, #tpu.memory_space<vmem>>
    tpu.vector_store_idx %scatter3A_701[%add3A_679, %broadcast_in_dim3A_692], %gather3A_696 : memref<128x3xf32, #tpu.memory_space<vmem>>[vector<16xi32>, vector<16xi32>], vector<16xf32>,
    %broadcast_in_dim3A_702 = arith.constant 2 : i32
    %broadcast_in_dim3A_703 = vector.broadcast %broadcast_in_dim3A_702 : i32 to vector<16xi32>
    %add3A_704 = arith.constant 2 : i32
    %add3A_705 = vector.broadcast %add3A_704 : i32 to vector<16xi32>
    %add3A_706 = arith.addi %mul3A_676, %add3A_705 : vector<16xi32>
    %gather3A_707 = tpu.vector_load_idx %arg6[%add3A_706] : memref<3072xf32, #tpu.memory_space<vmem>>[vector<16xi32>], vector<16xf32>,
    %scatter3A_708 = arith.constant 1 : i32
    %scatter3A_709 = arith.constant 0 : i32
    %scatter3A_710 = arith.constant 0 : i32
    %scatter3A_711 = tpu.memref_slice %arg8[%scatter3A_708, %scatter3A_709, %scatter3A_710] : memref<2x128x3xf32, #tpu.memory_space<vmem>> -> memref<1x128x3xf32, #tpu.memory_space<vmem>>
    %scatter3A_712 = tpu.memref_squeeze %scatter3A_711 : memref<1x128x3xf32, #tpu.memory_space<vmem>> -> memref<128x3xf32, #tpu.memory_space<vmem>>
    tpu.vector_store_idx %scatter3A_712[%add3A_679, %broadcast_in_dim3A_703], %gather3A_707 : memref<128x3xf32, #tpu.memory_space<vmem>>[vector<16xi32>, vector<16xi32>], vector<16xf32>,
    %get3A_713 = arith.constant 224 : index
    %get3A_714 = tpu.vector_load %arg7[%get3A_713] {strides = array<i32>} : memref<512xi32, #tpu.memory_space<vmem>>, vector<16xi32>,
    %mul3A_715 = arith.constant 3 : i32
    %mul3A_716 = vector.broadcast %mul3A_715 : i32 to vector<16xi32>
    %mul3A_717 = arith.muli %get3A_714, %mul3A_716 : vector<16xi32>
    %add3A_718 = arith.constant 96 : i32
    %add3A_719 = vector.broadcast %add3A_718 : i32 to vector<16xi32>
    %add3A_720 = arith.addi %iota3A, %add3A_719 : vector<16xi32>
    %broadcast_in_dim3A_721 = arith.constant 0 : i32
    %broadcast_in_dim3A_722 = vector.broadcast %broadcast_in_dim3A_721 : i32 to vector<16xi32>
    %add3A_723 = arith.constant 0 : i32
    %add3A_724 = vector.broadcast %add3A_723 : i32 to vector<16xi32>
    %add3A_725 = arith.addi %mul3A_717, %add3A_724 : vector<16xi32>
    %gather3A_726 = tpu.vector_load_idx %arg6[%add3A_725] : memref<3072xf32, #tpu.memory_space<vmem>>[vector<16xi32>], vector<16xf32>,
    %scatter3A_727 = arith.constant 1 : i32
    %scatter3A_728 = arith.constant 0 : i32
    %scatter3A_729 = arith.constant 0 : i32
    %scatter3A_730 = tpu.memref_slice %arg8[%scatter3A_727, %scatter3A_728, %scatter3A_729] : memref<2x128x3xf32, #tpu.memory_space<vmem>> -> memref<1x128x3xf32, #tpu.memory_space<vmem>>
    %scatter3A_731 = tpu.memref_squeeze %scatter3A_730 : memref<1x128x3xf32, #tpu.memory_space<vmem>> -> memref<128x3xf32, #tpu.memory_space<vmem>>
    tpu.vector_store_idx %scatter3A_731[%add3A_720, %broadcast_in_dim3A_722], %gather3A_726 : memref<128x3xf32, #tpu.memory_space<vmem>>[vector<16xi32>, vector<16xi32>], vector<16xf32>,
    %broadcast_in_dim3A_732 = arith.constant 1 : i32
    %broadcast_in_dim3A_733 = vector.broadcast %broadcast_in_dim3A_732 : i32 to vector<16xi32>
    %add3A_734 = arith.constant 1 : i32
    %add3A_735 = vector.broadcast %add3A_734 : i32 to vector<16xi32>
    %add3A_736 = arith.addi %mul3A_717, %add3A_735 : vector<16xi32>
    %gather3A_737 = tpu.vector_load_idx %arg6[%add3A_736] : memref<3072xf32, #tpu.memory_space<vmem>>[vector<16xi32>], vector<16xf32>,
    %scatter3A_738 = arith.constant 1 : i32
    %scatter3A_739 = arith.constant 0 : i32
    %scatter3A_740 = arith.constant 0 : i32
    %scatter3A_741 = tpu.memref_slice %arg8[%scatter3A_738, %scatter3A_739, %scatter3A_740] : memref<2x128x3xf32, #tpu.memory_space<vmem>> -> memref<1x128x3xf32, #tpu.memory_space<vmem>>
    %scatter3A_742 = tpu.memref_squeeze %scatter3A_741 : memref<1x128x3xf32, #tpu.memory_space<vmem>> -> memref<128x3xf32, #tpu.memory_space<vmem>>
    tpu.vector_store_idx %scatter3A_742[%add3A_720, %broadcast_in_dim3A_733], %gather3A_737 : memref<128x3xf32, #tpu.memory_space<vmem>>[vector<16xi32>, vector<16xi32>], vector<16xf32>,
    %broadcast_in_dim3A_743 = arith.constant 2 : i32
    %broadcast_in_dim3A_744 = vector.broadcast %broadcast_in_dim3A_743 : i32 to vector<16xi32>
    %add3A_745 = arith.constant 2 : i32
    %add3A_746 = vector.broadcast %add3A_745 : i32 to vector<16xi32>
    %add3A_747 = arith.addi %mul3A_717, %add3A_746 : vector<16xi32>
    %gather3A_748 = tpu.vector_load_idx %arg6[%add3A_747] : memref<3072xf32, #tpu.memory_space<vmem>>[vector<16xi32>], vector<16xf32>,
    %scatter3A_749 = arith.constant 1 : i32
    %scatter3A_750 = arith.constant 0 : i32
    %scatter3A_751 = arith.constant 0 : i32
    %scatter3A_752 = tpu.memref_slice %arg8[%scatter3A_749, %scatter3A_750, %scatter3A_751] : memref<2x128x3xf32, #tpu.memory_space<vmem>> -> memref<1x128x3xf32, #tpu.memory_space<vmem>>
    %scatter3A_753 = tpu.memref_squeeze %scatter3A_752 : memref<1x128x3xf32, #tpu.memory_space<vmem>> -> memref<128x3xf32, #tpu.memory_space<vmem>>
    tpu.vector_store_idx %scatter3A_753[%add3A_720, %broadcast_in_dim3A_744], %gather3A_748 : memref<128x3xf32, #tpu.memory_space<vmem>>[vector<16xi32>, vector<16xi32>], vector<16xf32>,
    %get3A_754 = arith.constant 240 : index
    %get3A_755 = tpu.vector_load %arg7[%get3A_754] {strides = array<i32>} : memref<512xi32, #tpu.memory_space<vmem>>, vector<16xi32>,
    %mul3A_756 = arith.constant 3 : i32
    %mul3A_757 = vector.broadcast %mul3A_756 : i32 to vector<16xi32>
    %mul3A_758 = arith.muli %get3A_755, %mul3A_757 : vector<16xi32>
    %add3A_759 = arith.constant 112 : i32
    %add3A_760 = vector.broadcast %add3A_759 : i32 to vector<16xi32>
    %add3A_761 = arith.addi %iota3A, %add3A_760 : vector<16xi32>
    %broadcast_in_dim3A_762 = arith.constant 0 : i32
    %broadcast_in_dim3A_763 = vector.broadcast %broadcast_in_dim3A_762 : i32 to vector<16xi32>
    %add3A_764 = arith.constant 0 : i32
    %add3A_765 = vector.broadcast %add3A_764 : i32 to vector<16xi32>
    %add3A_766 = arith.addi %mul3A_758, %add3A_765 : vector<16xi32>
    %gather3A_767 = tpu.vector_load_idx %arg6[%add3A_766] : memref<3072xf32, #tpu.memory_space<vmem>>[vector<16xi32>], vector<16xf32>,
    %scatter3A_768 = arith.constant 1 : i32
    %scatter3A_769 = arith.constant 0 : i32
    %scatter3A_770 = arith.constant 0 : i32
    %scatter3A_771 = tpu.memref_slice %arg8[%scatter3A_768, %scatter3A_769, %scatter3A_770] : memref<2x128x3xf32, #tpu.memory_space<vmem>> -> memref<1x128x3xf32, #tpu.memory_space<vmem>>
    %scatter3A_772 = tpu.memref_squeeze %scatter3A_771 : memref<1x128x3xf32, #tpu.memory_space<vmem>> -> memref<128x3xf32, #tpu.memory_space<vmem>>
    tpu.vector_store_idx %scatter3A_772[%add3A_761, %broadcast_in_dim3A_763], %gather3A_767 : memref<128x3xf32, #tpu.memory_space<vmem>>[vector<16xi32>, vector<16xi32>], vector<16xf32>,
    %broadcast_in_dim3A_773 = arith.constant 1 : i32
    %broadcast_in_dim3A_774 = vector.broadcast %broadcast_in_dim3A_773 : i32 to vector<16xi32>
    %add3A_775 = arith.constant 1 : i32
    %add3A_776 = vector.broadcast %add3A_775 : i32 to vector<16xi32>
    %add3A_777 = arith.addi %mul3A_758, %add3A_776 : vector<16xi32>
    %gather3A_778 = tpu.vector_load_idx %arg6[%add3A_777] : memref<3072xf32, #tpu.memory_space<vmem>>[vector<16xi32>], vector<16xf32>,
    %scatter3A_779 = arith.constant 1 : i32
    %scatter3A_780 = arith.constant 0 : i32
    %scatter3A_781 = arith.constant 0 : i32
    %scatter3A_782 = tpu.memref_slice %arg8[%scatter3A_779, %scatter3A_780, %scatter3A_781] : memref<2x128x3xf32, #tpu.memory_space<vmem>> -> memref<1x128x3xf32, #tpu.memory_space<vmem>>
    %scatter3A_783 = tpu.memref_squeeze %scatter3A_782 : memref<1x128x3xf32, #tpu.memory_space<vmem>> -> memref<128x3xf32, #tpu.memory_space<vmem>>
    tpu.vector_store_idx %scatter3A_783[%add3A_761, %broadcast_in_dim3A_774], %gather3A_778 : memref<128x3xf32, #tpu.memory_space<vmem>>[vector<16xi32>, vector<16xi32>], vector<16xf32>,
    %broadcast_in_dim3A_784 = arith.constant 2 : i32
    %broadcast_in_dim3A_785 = vector.broadcast %broadcast_in_dim3A_784 : i32 to vector<16xi32>
    %add3A_786 = arith.constant 2 : i32
    %add3A_787 = vector.broadcast %add3A_786 : i32 to vector<16xi32>
    %add3A_788 = arith.addi %mul3A_758, %add3A_787 : vector<16xi32>
    %gather3A_789 = tpu.vector_load_idx %arg6[%add3A_788] : memref<3072xf32, #tpu.memory_space<vmem>>[vector<16xi32>], vector<16xf32>,
    %scatter3A_790 = arith.constant 1 : i32
    %scatter3A_791 = arith.constant 0 : i32
    %scatter3A_792 = arith.constant 0 : i32
    %scatter3A_793 = tpu.memref_slice %arg8[%scatter3A_790, %scatter3A_791, %scatter3A_792] : memref<2x128x3xf32, #tpu.memory_space<vmem>> -> memref<1x128x3xf32, #tpu.memory_space<vmem>>
    %scatter3A_794 = tpu.memref_squeeze %scatter3A_793 : memref<1x128x3xf32, #tpu.memory_space<vmem>> -> memref<128x3xf32, #tpu.memory_space<vmem>>
    tpu.vector_store_idx %scatter3A_794[%add3A_761, %broadcast_in_dim3A_785], %gather3A_789 : memref<128x3xf32, #tpu.memory_space<vmem>>[vector<16xi32>, vector<16xi32>], vector<16xf32>,
    %add3A_795 = arith.constant 128 : i32
    %add3A_796 = arith.addi %mul3A_2, %add3A_795 : i32
    %dma_start3A_797 = arith.constant 1 : i32
    %dma_start3A_798 = arith.constant 1 : i32
    %dma_start3A_799 = arith.constant 0 : i32
    %dma_start3A_800 = arith.constant 0 : i32
    %dma_start3A_801 = tpu.memref_slice %arg8[%dma_start3A_797, %dma_start3A_799, %dma_start3A_800] : memref<2x128x3xf32, #tpu.memory_space<vmem>> -> memref<1x128x3xf32, #tpu.memory_space<vmem>>
    %dma_start3A_802 = tpu.memref_squeeze %dma_start3A_801 : memref<1x128x3xf32, #tpu.memory_space<vmem>> -> memref<128x3xf32, #tpu.memory_space<vmem>>
    %dma_start3A_803 = arith.constant 0 : i32
    %dma_start3A_804 = tpu.memref_slice %arg4[%add3A_796, %dma_start3A_803] : memref<16384x3xf32, #tpu.memory_space<hbm>> -> memref<128x3xf32, #tpu.memory_space<hbm>>
    %dma_start3A_805 = tpu.memref_slice %arg11[%dma_start3A_798] : memref<2x!tpu.dma_semaphore, #tpu.memory_space<semaphore_mem>> -> memref<1x!tpu.dma_semaphore, #tpu.memory_space<semaphore_mem>>
    %dma_start3A_806 = tpu.memref_squeeze %dma_start3A_805 : memref<1x!tpu.dma_semaphore, #tpu.memory_space<semaphore_mem>> -> memref<!tpu.dma_semaphore, #tpu.memory_space<semaphore_mem>>
    %dma_start3A_807 = arith.constant 0 : i32
    %dma_start3A_808 = tpu.memref_slice %arg4[%add3A_796, %dma_start3A_807] : memref<16384x3xf32, #tpu.memory_space<hbm>> -> memref<128x3xf32, #tpu.memory_space<hbm>>
    %dma_start3A_809 = arith.constant 0 : i32
    %dma_start3A_810 = arith.constant 0 : i32
    %dma_start3A_811 = tpu.memref_slice %arg8[%dma_start3A_797, %dma_start3A_809, %dma_start3A_810] : memref<2x128x3xf32, #tpu.memory_space<vmem>> -> memref<1x128x3xf32, #tpu.memory_space<vmem>>
    %dma_start3A_812 = tpu.memref_squeeze %dma_start3A_811 : memref<1x128x3xf32, #tpu.memory_space<vmem>> -> memref<128x3xf32, #tpu.memory_space<vmem>>
    tpu.enqueue_dma source(%dma_start3A_812 : memref<128x3xf32, #tpu.memory_space<vmem>>) target(%dma_start3A_808 : memref<128x3xf32, #tpu.memory_space<hbm>>) target_semaphore(%dma_start3A_806 : memref<!tpu.dma_semaphore, #tpu.memory_space<semaphore_mem>>)
    %dma_wait3A_813 = arith.constant 0 : i32
    %dma_wait3A_814 = arith.constant 0 : i32
    %dma_wait3A_815 = arith.constant 0 : i32
    %dma_wait3A_816 = arith.constant 0 : i32
    %dma_wait3A_817 = tpu.memref_slice %arg8[%dma_wait3A_813, %dma_wait3A_815, %dma_wait3A_816] : memref<2x128x3xf32, #tpu.memory_space<vmem>> -> memref<1x128x3xf32, #tpu.memory_space<vmem>>
    %dma_wait3A_818 = tpu.memref_squeeze %dma_wait3A_817 : memref<1x128x3xf32, #tpu.memory_space<vmem>> -> memref<128x3xf32, #tpu.memory_space<vmem>>
    %dma_wait3A_819 = arith.constant 0 : i32
    %dma_wait3A_820 = tpu.memref_slice %arg4[%add3A_450, %dma_wait3A_819] : memref<16384x3xf32, #tpu.memory_space<hbm>> -> memref<128x3xf32, #tpu.memory_space<hbm>>
    %dma_wait3A_821 = tpu.memref_slice %arg11[%dma_wait3A_814] : memref<2x!tpu.dma_semaphore, #tpu.memory_space<semaphore_mem>> -> memref<1x!tpu.dma_semaphore, #tpu.memory_space<semaphore_mem>>
    %dma_wait3A_822 = tpu.memref_squeeze %dma_wait3A_821 : memref<1x!tpu.dma_semaphore, #tpu.memory_space<semaphore_mem>> -> memref<!tpu.dma_semaphore, #tpu.memory_space<semaphore_mem>>
    %dma_wait3A_823 = arith.constant 0 : i32
    %dma_wait3A_824 = tpu.memref_slice %arg4[%add3A_450, %dma_wait3A_823] : memref<16384x3xf32, #tpu.memory_space<hbm>> -> memref<128x3xf32, #tpu.memory_space<hbm>>
    %dma_wait3A_825 = arith.constant 0 : i32
    %dma_wait3A_826 = arith.constant 0 : i32
    %dma_wait3A_827 = tpu.memref_slice %arg8[%dma_wait3A_813, %dma_wait3A_825, %dma_wait3A_826] : memref<2x128x3xf32, #tpu.memory_space<vmem>> -> memref<1x128x3xf32, #tpu.memory_space<vmem>>
    %dma_wait3A_828 = tpu.memref_squeeze %dma_wait3A_827 : memref<1x128x3xf32, #tpu.memory_space<vmem>> -> memref<128x3xf32, #tpu.memory_space<vmem>>
    tpu.wait_dma2 semaphore(%dma_wait3A_822 : memref<!tpu.dma_semaphore, #tpu.memory_space<semaphore_mem>>) src(%dma_wait3A_828 : memref<128x3xf32, #tpu.memory_space<vmem>>) dst(%dma_wait3A_824 : memref<128x3xf32, #tpu.memory_space<hbm>>)
    %get3A_829 = arith.constant 256 : index
    %get3A_830 = tpu.vector_load %arg7[%get3A_829] {strides = array<i32>} : memref<512xi32, #tpu.memory_space<vmem>>, vector<16xi32>,
    %mul3A_831 = arith.constant 3 : i32
    %mul3A_832 = vector.broadcast %mul3A_831 : i32 to vector<16xi32>
    %mul3A_833 = arith.muli %get3A_830, %mul3A_832 : vector<16xi32>
    %add3A_834 = arith.constant 0 : i32
    %add3A_835 = vector.broadcast %add3A_834 : i32 to vector<16xi32>
    %add3A_836 = arith.addi %iota3A, %add3A_835 : vector<16xi32>
    %broadcast_in_dim3A_837 = arith.constant 0 : i32
    %broadcast_in_dim3A_838 = vector.broadcast %broadcast_in_dim3A_837 : i32 to vector<16xi32>
    %add3A_839 = arith.constant 0 : i32
    %add3A_840 = vector.broadcast %add3A_839 : i32 to vector<16xi32>
    %add3A_841 = arith.addi %mul3A_833, %add3A_840 : vector<16xi32>
    %gather3A_842 = tpu.vector_load_idx %arg6[%add3A_841] : memref<3072xf32, #tpu.memory_space<vmem>>[vector<16xi32>], vector<16xf32>,
    %scatter3A_843 = arith.constant 0 : i32
    %scatter3A_844 = arith.constant 0 : i32
    %scatter3A_845 = arith.constant 0 : i32
    %scatter3A_846 = tpu.memref_slice %arg8[%scatter3A_843, %scatter3A_844, %scatter3A_845] : memref<2x128x3xf32, #tpu.memory_space<vmem>> -> memref<1x128x3xf32, #tpu.memory_space<vmem>>
    %scatter3A_847 = tpu.memref_squeeze %scatter3A_846 : memref<1x128x3xf32, #tpu.memory_space<vmem>> -> memref<128x3xf32, #tpu.memory_space<vmem>>
    tpu.vector_store_idx %scatter3A_847[%add3A_836, %broadcast_in_dim3A_838], %gather3A_842 : memref<128x3xf32, #tpu.memory_space<vmem>>[vector<16xi32>, vector<16xi32>], vector<16xf32>,
    %broadcast_in_dim3A_848 = arith.constant 1 : i32
    %broadcast_in_dim3A_849 = vector.broadcast %broadcast_in_dim3A_848 : i32 to vector<16xi32>
    %add3A_850 = arith.constant 1 : i32
    %add3A_851 = vector.broadcast %add3A_850 : i32 to vector<16xi32>
    %add3A_852 = arith.addi %mul3A_833, %add3A_851 : vector<16xi32>
    %gather3A_853 = tpu.vector_load_idx %arg6[%add3A_852] : memref<3072xf32, #tpu.memory_space<vmem>>[vector<16xi32>], vector<16xf32>,
    %scatter3A_854 = arith.constant 0 : i32
    %scatter3A_855 = arith.constant 0 : i32
    %scatter3A_856 = arith.constant 0 : i32
    %scatter3A_857 = tpu.memref_slice %arg8[%scatter3A_854, %scatter3A_855, %scatter3A_856] : memref<2x128x3xf32, #tpu.memory_space<vmem>> -> memref<1x128x3xf32, #tpu.memory_space<vmem>>
    %scatter3A_858 = tpu.memref_squeeze %scatter3A_857 : memref<1x128x3xf32, #tpu.memory_space<vmem>> -> memref<128x3xf32, #tpu.memory_space<vmem>>
    tpu.vector_store_idx %scatter3A_858[%add3A_836, %broadcast_in_dim3A_849], %gather3A_853 : memref<128x3xf32, #tpu.memory_space<vmem>>[vector<16xi32>, vector<16xi32>], vector<16xf32>,
    %broadcast_in_dim3A_859 = arith.constant 2 : i32
    %broadcast_in_dim3A_860 = vector.broadcast %broadcast_in_dim3A_859 : i32 to vector<16xi32>
    %add3A_861 = arith.constant 2 : i32
    %add3A_862 = vector.broadcast %add3A_861 : i32 to vector<16xi32>
    %add3A_863 = arith.addi %mul3A_833, %add3A_862 : vector<16xi32>
    %gather3A_864 = tpu.vector_load_idx %arg6[%add3A_863] : memref<3072xf32, #tpu.memory_space<vmem>>[vector<16xi32>], vector<16xf32>,
    %scatter3A_865 = arith.constant 0 : i32
    %scatter3A_866 = arith.constant 0 : i32
    %scatter3A_867 = arith.constant 0 : i32
    %scatter3A_868 = tpu.memref_slice %arg8[%scatter3A_865, %scatter3A_866, %scatter3A_867] : memref<2x128x3xf32, #tpu.memory_space<vmem>> -> memref<1x128x3xf32, #tpu.memory_space<vmem>>
    %scatter3A_869 = tpu.memref_squeeze %scatter3A_868 : memref<1x128x3xf32, #tpu.memory_space<vmem>> -> memref<128x3xf32, #tpu.memory_space<vmem>>
    tpu.vector_store_idx %scatter3A_869[%add3A_836, %broadcast_in_dim3A_860], %gather3A_864 : memref<128x3xf32, #tpu.memory_space<vmem>>[vector<16xi32>, vector<16xi32>], vector<16xf32>,
    %get3A_870 = arith.constant 272 : index
    %get3A_871 = tpu.vector_load %arg7[%get3A_870] {strides = array<i32>} : memref<512xi32, #tpu.memory_space<vmem>>, vector<16xi32>,
    %mul3A_872 = arith.constant 3 : i32
    %mul3A_873 = vector.broadcast %mul3A_872 : i32 to vector<16xi32>
    %mul3A_874 = arith.muli %get3A_871, %mul3A_873 : vector<16xi32>
    %add3A_875 = arith.constant 16 : i32
    %add3A_876 = vector.broadcast %add3A_875 : i32 to vector<16xi32>
    %add3A_877 = arith.addi %iota3A, %add3A_876 : vector<16xi32>
    %broadcast_in_dim3A_878 = arith.constant 0 : i32
    %broadcast_in_dim3A_879 = vector.broadcast %broadcast_in_dim3A_878 : i32 to vector<16xi32>
    %add3A_880 = arith.constant 0 : i32
    %add3A_881 = vector.broadcast %add3A_880 : i32 to vector<16xi32>
    %add3A_882 = arith.addi %mul3A_874, %add3A_881 : vector<16xi32>
    %gather3A_883 = tpu.vector_load_idx %arg6[%add3A_882] : memref<3072xf32, #tpu.memory_space<vmem>>[vector<16xi32>], vector<16xf32>,
    %scatter3A_884 = arith.constant 0 : i32
    %scatter3A_885 = arith.constant 0 : i32
    %scatter3A_886 = arith.constant 0 : i32
    %scatter3A_887 = tpu.memref_slice %arg8[%scatter3A_884, %scatter3A_885, %scatter3A_886] : memref<2x128x3xf32, #tpu.memory_space<vmem>> -> memref<1x128x3xf32, #tpu.memory_space<vmem>>
    %scatter3A_888 = tpu.memref_squeeze %scatter3A_887 : memref<1x128x3xf32, #tpu.memory_space<vmem>> -> memref<128x3xf32, #tpu.memory_space<vmem>>
    tpu.vector_store_idx %scatter3A_888[%add3A_877, %broadcast_in_dim3A_879], %gather3A_883 : memref<128x3xf32, #tpu.memory_space<vmem>>[vector<16xi32>, vector<16xi32>], vector<16xf32>,
    %broadcast_in_dim3A_889 = arith.constant 1 : i32
    %broadcast_in_dim3A_890 = vector.broadcast %broadcast_in_dim3A_889 : i32 to vector<16xi32>
    %add3A_891 = arith.constant 1 : i32
    %add3A_892 = vector.broadcast %add3A_891 : i32 to vector<16xi32>
    %add3A_893 = arith.addi %mul3A_874, %add3A_892 : vector<16xi32>
    %gather3A_894 = tpu.vector_load_idx %arg6[%add3A_893] : memref<3072xf32, #tpu.memory_space<vmem>>[vector<16xi32>], vector<16xf32>,
    %scatter3A_895 = arith.constant 0 : i32
    %scatter3A_896 = arith.constant 0 : i32
    %scatter3A_897 = arith.constant 0 : i32
    %scatter3A_898 = tpu.memref_slice %arg8[%scatter3A_895, %scatter3A_896, %scatter3A_897] : memref<2x128x3xf32, #tpu.memory_space<vmem>> -> memref<1x128x3xf32, #tpu.memory_space<vmem>>
    %scatter3A_899 = tpu.memref_squeeze %scatter3A_898 : memref<1x128x3xf32, #tpu.memory_space<vmem>> -> memref<128x3xf32, #tpu.memory_space<vmem>>
    tpu.vector_store_idx %scatter3A_899[%add3A_877, %broadcast_in_dim3A_890], %gather3A_894 : memref<128x3xf32, #tpu.memory_space<vmem>>[vector<16xi32>, vector<16xi32>], vector<16xf32>,
    %broadcast_in_dim3A_900 = arith.constant 2 : i32
    %broadcast_in_dim3A_901 = vector.broadcast %broadcast_in_dim3A_900 : i32 to vector<16xi32>
    %add3A_902 = arith.constant 2 : i32
    %add3A_903 = vector.broadcast %add3A_902 : i32 to vector<16xi32>
    %add3A_904 = arith.addi %mul3A_874, %add3A_903 : vector<16xi32>
    %gather3A_905 = tpu.vector_load_idx %arg6[%add3A_904] : memref<3072xf32, #tpu.memory_space<vmem>>[vector<16xi32>], vector<16xf32>,
    %scatter3A_906 = arith.constant 0 : i32
    %scatter3A_907 = arith.constant 0 : i32
    %scatter3A_908 = arith.constant 0 : i32
    %scatter3A_909 = tpu.memref_slice %arg8[%scatter3A_906, %scatter3A_907, %scatter3A_908] : memref<2x128x3xf32, #tpu.memory_space<vmem>> -> memref<1x128x3xf32, #tpu.memory_space<vmem>>
    %scatter3A_910 = tpu.memref_squeeze %scatter3A_909 : memref<1x128x3xf32, #tpu.memory_space<vmem>> -> memref<128x3xf32, #tpu.memory_space<vmem>>
    tpu.vector_store_idx %scatter3A_910[%add3A_877, %broadcast_in_dim3A_901], %gather3A_905 : memref<128x3xf32, #tpu.memory_space<vmem>>[vector<16xi32>, vector<16xi32>], vector<16xf32>,
    %get3A_911 = arith.constant 288 : index
    %get3A_912 = tpu.vector_load %arg7[%get3A_911] {strides = array<i32>} : memref<512xi32, #tpu.memory_space<vmem>>, vector<16xi32>,
    %mul3A_913 = arith.constant 3 : i32
    %mul3A_914 = vector.broadcast %mul3A_913 : i32 to vector<16xi32>
    %mul3A_915 = arith.muli %get3A_912, %mul3A_914 : vector<16xi32>
    %add3A_916 = arith.constant 32 : i32
    %add3A_917 = vector.broadcast %add3A_916 : i32 to vector<16xi32>
    %add3A_918 = arith.addi %iota3A, %add3A_917 : vector<16xi32>
    %broadcast_in_dim3A_919 = arith.constant 0 : i32
    %broadcast_in_dim3A_920 = vector.broadcast %broadcast_in_dim3A_919 : i32 to vector<16xi32>
    %add3A_921 = arith.constant 0 : i32
    %add3A_922 = vector.broadcast %add3A_921 : i32 to vector<16xi32>
    %add3A_923 = arith.addi %mul3A_915, %add3A_922 : vector<16xi32>
    %gather3A_924 = tpu.vector_load_idx %arg6[%add3A_923] : memref<3072xf32, #tpu.memory_space<vmem>>[vector<16xi32>], vector<16xf32>,
    %scatter3A_925 = arith.constant 0 : i32
    %scatter3A_926 = arith.constant 0 : i32
    %scatter3A_927 = arith.constant 0 : i32
    %scatter3A_928 = tpu.memref_slice %arg8[%scatter3A_925, %scatter3A_926, %scatter3A_927] : memref<2x128x3xf32, #tpu.memory_space<vmem>> -> memref<1x128x3xf32, #tpu.memory_space<vmem>>
    %scatter3A_929 = tpu.memref_squeeze %scatter3A_928 : memref<1x128x3xf32, #tpu.memory_space<vmem>> -> memref<128x3xf32, #tpu.memory_space<vmem>>
    tpu.vector_store_idx %scatter3A_929[%add3A_918, %broadcast_in_dim3A_920], %gather3A_924 : memref<128x3xf32, #tpu.memory_space<vmem>>[vector<16xi32>, vector<16xi32>], vector<16xf32>,
    %broadcast_in_dim3A_930 = arith.constant 1 : i32
    %broadcast_in_dim3A_931 = vector.broadcast %broadcast_in_dim3A_930 : i32 to vector<16xi32>
    %add3A_932 = arith.constant 1 : i32
    %add3A_933 = vector.broadcast %add3A_932 : i32 to vector<16xi32>
    %add3A_934 = arith.addi %mul3A_915, %add3A_933 : vector<16xi32>
    %gather3A_935 = tpu.vector_load_idx %arg6[%add3A_934] : memref<3072xf32, #tpu.memory_space<vmem>>[vector<16xi32>], vector<16xf32>,
    %scatter3A_936 = arith.constant 0 : i32
    %scatter3A_937 = arith.constant 0 : i32
    %scatter3A_938 = arith.constant 0 : i32
    %scatter3A_939 = tpu.memref_slice %arg8[%scatter3A_936, %scatter3A_937, %scatter3A_938] : memref<2x128x3xf32, #tpu.memory_space<vmem>> -> memref<1x128x3xf32, #tpu.memory_space<vmem>>
    %scatter3A_940 = tpu.memref_squeeze %scatter3A_939 : memref<1x128x3xf32, #tpu.memory_space<vmem>> -> memref<128x3xf32, #tpu.memory_space<vmem>>
    tpu.vector_store_idx %scatter3A_940[%add3A_918, %broadcast_in_dim3A_931], %gather3A_935 : memref<128x3xf32, #tpu.memory_space<vmem>>[vector<16xi32>, vector<16xi32>], vector<16xf32>,
    %broadcast_in_dim3A_941 = arith.constant 2 : i32
    %broadcast_in_dim3A_942 = vector.broadcast %broadcast_in_dim3A_941 : i32 to vector<16xi32>
    %add3A_943 = arith.constant 2 : i32
    %add3A_944 = vector.broadcast %add3A_943 : i32 to vector<16xi32>
    %add3A_945 = arith.addi %mul3A_915, %add3A_944 : vector<16xi32>
    %gather3A_946 = tpu.vector_load_idx %arg6[%add3A_945] : memref<3072xf32, #tpu.memory_space<vmem>>[vector<16xi32>], vector<16xf32>,
    %scatter3A_947 = arith.constant 0 : i32
    %scatter3A_948 = arith.constant 0 : i32
    %scatter3A_949 = arith.constant 0 : i32
    %scatter3A_950 = tpu.memref_slice %arg8[%scatter3A_947, %scatter3A_948, %scatter3A_949] : memref<2x128x3xf32, #tpu.memory_space<vmem>> -> memref<1x128x3xf32, #tpu.memory_space<vmem>>
    %scatter3A_951 = tpu.memref_squeeze %scatter3A_950 : memref<1x128x3xf32, #tpu.memory_space<vmem>> -> memref<128x3xf32, #tpu.memory_space<vmem>>
    tpu.vector_store_idx %scatter3A_951[%add3A_918, %broadcast_in_dim3A_942], %gather3A_946 : memref<128x3xf32, #tpu.memory_space<vmem>>[vector<16xi32>, vector<16xi32>], vector<16xf32>,
    %get3A_952 = arith.constant 304 : index
    %get3A_953 = tpu.vector_load %arg7[%get3A_952] {strides = array<i32>} : memref<512xi32, #tpu.memory_space<vmem>>, vector<16xi32>,
    %mul3A_954 = arith.constant 3 : i32
    %mul3A_955 = vector.broadcast %mul3A_954 : i32 to vector<16xi32>
    %mul3A_956 = arith.muli %get3A_953, %mul3A_955 : vector<16xi32>
    %add3A_957 = arith.constant 48 : i32
    %add3A_958 = vector.broadcast %add3A_957 : i32 to vector<16xi32>
    %add3A_959 = arith.addi %iota3A, %add3A_958 : vector<16xi32>
    %broadcast_in_dim3A_960 = arith.constant 0 : i32
    %broadcast_in_dim3A_961 = vector.broadcast %broadcast_in_dim3A_960 : i32 to vector<16xi32>
    %add3A_962 = arith.constant 0 : i32
    %add3A_963 = vector.broadcast %add3A_962 : i32 to vector<16xi32>
    %add3A_964 = arith.addi %mul3A_956, %add3A_963 : vector<16xi32>
    %gather3A_965 = tpu.vector_load_idx %arg6[%add3A_964] : memref<3072xf32, #tpu.memory_space<vmem>>[vector<16xi32>], vector<16xf32>,
    %scatter3A_966 = arith.constant 0 : i32
    %scatter3A_967 = arith.constant 0 : i32
    %scatter3A_968 = arith.constant 0 : i32
    %scatter3A_969 = tpu.memref_slice %arg8[%scatter3A_966, %scatter3A_967, %scatter3A_968] : memref<2x128x3xf32, #tpu.memory_space<vmem>> -> memref<1x128x3xf32, #tpu.memory_space<vmem>>
    %scatter3A_970 = tpu.memref_squeeze %scatter3A_969 : memref<1x128x3xf32, #tpu.memory_space<vmem>> -> memref<128x3xf32, #tpu.memory_space<vmem>>
    tpu.vector_store_idx %scatter3A_970[%add3A_959, %broadcast_in_dim3A_961], %gather3A_965 : memref<128x3xf32, #tpu.memory_space<vmem>>[vector<16xi32>, vector<16xi32>], vector<16xf32>,
    %broadcast_in_dim3A_971 = arith.constant 1 : i32
    %broadcast_in_dim3A_972 = vector.broadcast %broadcast_in_dim3A_971 : i32 to vector<16xi32>
    %add3A_973 = arith.constant 1 : i32
    %add3A_974 = vector.broadcast %add3A_973 : i32 to vector<16xi32>
    %add3A_975 = arith.addi %mul3A_956, %add3A_974 : vector<16xi32>
    %gather3A_976 = tpu.vector_load_idx %arg6[%add3A_975] : memref<3072xf32, #tpu.memory_space<vmem>>[vector<16xi32>], vector<16xf32>,
    %scatter3A_977 = arith.constant 0 : i32
    %scatter3A_978 = arith.constant 0 : i32
    %scatter3A_979 = arith.constant 0 : i32
    %scatter3A_980 = tpu.memref_slice %arg8[%scatter3A_977, %scatter3A_978, %scatter3A_979] : memref<2x128x3xf32, #tpu.memory_space<vmem>> -> memref<1x128x3xf32, #tpu.memory_space<vmem>>
    %scatter3A_981 = tpu.memref_squeeze %scatter3A_980 : memref<1x128x3xf32, #tpu.memory_space<vmem>> -> memref<128x3xf32, #tpu.memory_space<vmem>>
    tpu.vector_store_idx %scatter3A_981[%add3A_959, %broadcast_in_dim3A_972], %gather3A_976 : memref<128x3xf32, #tpu.memory_space<vmem>>[vector<16xi32>, vector<16xi32>], vector<16xf32>,
    %broadcast_in_dim3A_982 = arith.constant 2 : i32
    %broadcast_in_dim3A_983 = vector.broadcast %broadcast_in_dim3A_982 : i32 to vector<16xi32>
    %add3A_984 = arith.constant 2 : i32
    %add3A_985 = vector.broadcast %add3A_984 : i32 to vector<16xi32>
    %add3A_986 = arith.addi %mul3A_956, %add3A_985 : vector<16xi32>
    %gather3A_987 = tpu.vector_load_idx %arg6[%add3A_986] : memref<3072xf32, #tpu.memory_space<vmem>>[vector<16xi32>], vector<16xf32>,
    %scatter3A_988 = arith.constant 0 : i32
    %scatter3A_989 = arith.constant 0 : i32
    %scatter3A_990 = arith.constant 0 : i32
    %scatter3A_991 = tpu.memref_slice %arg8[%scatter3A_988, %scatter3A_989, %scatter3A_990] : memref<2x128x3xf32, #tpu.memory_space<vmem>> -> memref<1x128x3xf32, #tpu.memory_space<vmem>>
    %scatter3A_992 = tpu.memref_squeeze %scatter3A_991 : memref<1x128x3xf32, #tpu.memory_space<vmem>> -> memref<128x3xf32, #tpu.memory_space<vmem>>
    tpu.vector_store_idx %scatter3A_992[%add3A_959, %broadcast_in_dim3A_983], %gather3A_987 : memref<128x3xf32, #tpu.memory_space<vmem>>[vector<16xi32>, vector<16xi32>], vector<16xf32>,
    %get3A_993 = arith.constant 320 : index
    %get3A_994 = tpu.vector_load %arg7[%get3A_993] {strides = array<i32>} : memref<512xi32, #tpu.memory_space<vmem>>, vector<16xi32>,
    %mul3A_995 = arith.constant 3 : i32
    %mul3A_996 = vector.broadcast %mul3A_995 : i32 to vector<16xi32>
    %mul3A_997 = arith.muli %get3A_994, %mul3A_996 : vector<16xi32>
    %add3A_998 = arith.constant 64 : i32
    %add3A_999 = vector.broadcast %add3A_998 : i32 to vector<16xi32>
    %add3A_1000 = arith.addi %iota3A, %add3A_999 : vector<16xi32>
    %broadcast_in_dim3A_1001 = arith.constant 0 : i32
    %broadcast_in_dim3A_1002 = vector.broadcast %broadcast_in_dim3A_1001 : i32 to vector<16xi32>
    %add3A_1003 = arith.constant 0 : i32
    %add3A_1004 = vector.broadcast %add3A_1003 : i32 to vector<16xi32>
    %add3A_1005 = arith.addi %mul3A_997, %add3A_1004 : vector<16xi32>
    %gather3A_1006 = tpu.vector_load_idx %arg6[%add3A_1005] : memref<3072xf32, #tpu.memory_space<vmem>>[vector<16xi32>], vector<16xf32>,
    %scatter3A_1007 = arith.constant 0 : i32
    %scatter3A_1008 = arith.constant 0 : i32
    %scatter3A_1009 = arith.constant 0 : i32
    %scatter3A_1010 = tpu.memref_slice %arg8[%scatter3A_1007, %scatter3A_1008, %scatter3A_1009] : memref<2x128x3xf32, #tpu.memory_space<vmem>> -> memref<1x128x3xf32, #tpu.memory_space<vmem>>
    %scatter3A_1011 = tpu.memref_squeeze %scatter3A_1010 : memref<1x128x3xf32, #tpu.memory_space<vmem>> -> memref<128x3xf32, #tpu.memory_space<vmem>>
    tpu.vector_store_idx %scatter3A_1011[%add3A_1000, %broadcast_in_dim3A_1002], %gather3A_1006 : memref<128x3xf32, #tpu.memory_space<vmem>>[vector<16xi32>, vector<16xi32>], vector<16xf32>,
    %broadcast_in_dim3A_1012 = arith.constant 1 : i32
    %broadcast_in_dim3A_1013 = vector.broadcast %broadcast_in_dim3A_1012 : i32 to vector<16xi32>
    %add3A_1014 = arith.constant 1 : i32
    %add3A_1015 = vector.broadcast %add3A_1014 : i32 to vector<16xi32>
    %add3A_1016 = arith.addi %mul3A_997, %add3A_1015 : vector<16xi32>
    %gather3A_1017 = tpu.vector_load_idx %arg6[%add3A_1016] : memref<3072xf32, #tpu.memory_space<vmem>>[vector<16xi32>], vector<16xf32>,
    %scatter3A_1018 = arith.constant 0 : i32
    %scatter3A_1019 = arith.constant 0 : i32
    %scatter3A_1020 = arith.constant 0 : i32
    %scatter3A_1021 = tpu.memref_slice %arg8[%scatter3A_1018, %scatter3A_1019, %scatter3A_1020] : memref<2x128x3xf32, #tpu.memory_space<vmem>> -> memref<1x128x3xf32, #tpu.memory_space<vmem>>
    %scatter3A_1022 = tpu.memref_squeeze %scatter3A_1021 : memref<1x128x3xf32, #tpu.memory_space<vmem>> -> memref<128x3xf32, #tpu.memory_space<vmem>>
    tpu.vector_store_idx %scatter3A_1022[%add3A_1000, %broadcast_in_dim3A_1013], %gather3A_1017 : memref<128x3xf32, #tpu.memory_space<vmem>>[vector<16xi32>, vector<16xi32>], vector<16xf32>,
    %broadcast_in_dim3A_1023 = arith.constant 2 : i32
    %broadcast_in_dim3A_1024 = vector.broadcast %broadcast_in_dim3A_1023 : i32 to vector<16xi32>
    %add3A_1025 = arith.constant 2 : i32
    %add3A_1026 = vector.broadcast %add3A_1025 : i32 to vector<16xi32>
    %add3A_1027 = arith.addi %mul3A_997, %add3A_1026 : vector<16xi32>
    %gather3A_1028 = tpu.vector_load_idx %arg6[%add3A_1027] : memref<3072xf32, #tpu.memory_space<vmem>>[vector<16xi32>], vector<16xf32>,
    %scatter3A_1029 = arith.constant 0 : i32
    %scatter3A_1030 = arith.constant 0 : i32
    %scatter3A_1031 = arith.constant 0 : i32
    %scatter3A_1032 = tpu.memref_slice %arg8[%scatter3A_1029, %scatter3A_1030, %scatter3A_1031] : memref<2x128x3xf32, #tpu.memory_space<vmem>> -> memref<1x128x3xf32, #tpu.memory_space<vmem>>
    %scatter3A_1033 = tpu.memref_squeeze %scatter3A_1032 : memref<1x128x3xf32, #tpu.memory_space<vmem>> -> memref<128x3xf32, #tpu.memory_space<vmem>>
    tpu.vector_store_idx %scatter3A_1033[%add3A_1000, %broadcast_in_dim3A_1024], %gather3A_1028 : memref<128x3xf32, #tpu.memory_space<vmem>>[vector<16xi32>, vector<16xi32>], vector<16xf32>,
    %get3A_1034 = arith.constant 336 : index
    %get3A_1035 = tpu.vector_load %arg7[%get3A_1034] {strides = array<i32>} : memref<512xi32, #tpu.memory_space<vmem>>, vector<16xi32>,
    %mul3A_1036 = arith.constant 3 : i32
    %mul3A_1037 = vector.broadcast %mul3A_1036 : i32 to vector<16xi32>
    %mul3A_1038 = arith.muli %get3A_1035, %mul3A_1037 : vector<16xi32>
    %add3A_1039 = arith.constant 80 : i32
    %add3A_1040 = vector.broadcast %add3A_1039 : i32 to vector<16xi32>
    %add3A_1041 = arith.addi %iota3A, %add3A_1040 : vector<16xi32>
    %broadcast_in_dim3A_1042 = arith.constant 0 : i32
    %broadcast_in_dim3A_1043 = vector.broadcast %broadcast_in_dim3A_1042 : i32 to vector<16xi32>
    %add3A_1044 = arith.constant 0 : i32
    %add3A_1045 = vector.broadcast %add3A_1044 : i32 to vector<16xi32>
    %add3A_1046 = arith.addi %mul3A_1038, %add3A_1045 : vector<16xi32>
    %gather3A_1047 = tpu.vector_load_idx %arg6[%add3A_1046] : memref<3072xf32, #tpu.memory_space<vmem>>[vector<16xi32>], vector<16xf32>,
    %scatter3A_1048 = arith.constant 0 : i32
    %scatter3A_1049 = arith.constant 0 : i32
    %scatter3A_1050 = arith.constant 0 : i32
    %scatter3A_1051 = tpu.memref_slice %arg8[%scatter3A_1048, %scatter3A_1049, %scatter3A_1050] : memref<2x128x3xf32, #tpu.memory_space<vmem>> -> memref<1x128x3xf32, #tpu.memory_space<vmem>>
    %scatter3A_1052 = tpu.memref_squeeze %scatter3A_1051 : memref<1x128x3xf32, #tpu.memory_space<vmem>> -> memref<128x3xf32, #tpu.memory_space<vmem>>
    tpu.vector_store_idx %scatter3A_1052[%add3A_1041, %broadcast_in_dim3A_1043], %gather3A_1047 : memref<128x3xf32, #tpu.memory_space<vmem>>[vector<16xi32>, vector<16xi32>], vector<16xf32>,
    %broadcast_in_dim3A_1053 = arith.constant 1 : i32
    %broadcast_in_dim3A_1054 = vector.broadcast %broadcast_in_dim3A_1053 : i32 to vector<16xi32>
    %add3A_1055 = arith.constant 1 : i32
    %add3A_1056 = vector.broadcast %add3A_1055 : i32 to vector<16xi32>
    %add3A_1057 = arith.addi %mul3A_1038, %add3A_1056 : vector<16xi32>
    %gather3A_1058 = tpu.vector_load_idx %arg6[%add3A_1057] : memref<3072xf32, #tpu.memory_space<vmem>>[vector<16xi32>], vector<16xf32>,
    %scatter3A_1059 = arith.constant 0 : i32
    %scatter3A_1060 = arith.constant 0 : i32
    %scatter3A_1061 = arith.constant 0 : i32
    %scatter3A_1062 = tpu.memref_slice %arg8[%scatter3A_1059, %scatter3A_1060, %scatter3A_1061] : memref<2x128x3xf32, #tpu.memory_space<vmem>> -> memref<1x128x3xf32, #tpu.memory_space<vmem>>
    %scatter3A_1063 = tpu.memref_squeeze %scatter3A_1062 : memref<1x128x3xf32, #tpu.memory_space<vmem>> -> memref<128x3xf32, #tpu.memory_space<vmem>>
    tpu.vector_store_idx %scatter3A_1063[%add3A_1041, %broadcast_in_dim3A_1054], %gather3A_1058 : memref<128x3xf32, #tpu.memory_space<vmem>>[vector<16xi32>, vector<16xi32>], vector<16xf32>,
    %broadcast_in_dim3A_1064 = arith.constant 2 : i32
    %broadcast_in_dim3A_1065 = vector.broadcast %broadcast_in_dim3A_1064 : i32 to vector<16xi32>
    %add3A_1066 = arith.constant 2 : i32
    %add3A_1067 = vector.broadcast %add3A_1066 : i32 to vector<16xi32>
    %add3A_1068 = arith.addi %mul3A_1038, %add3A_1067 : vector<16xi32>
    %gather3A_1069 = tpu.vector_load_idx %arg6[%add3A_1068] : memref<3072xf32, #tpu.memory_space<vmem>>[vector<16xi32>], vector<16xf32>,
    %scatter3A_1070 = arith.constant 0 : i32
    %scatter3A_1071 = arith.constant 0 : i32
    %scatter3A_1072 = arith.constant 0 : i32
    %scatter3A_1073 = tpu.memref_slice %arg8[%scatter3A_1070, %scatter3A_1071, %scatter3A_1072] : memref<2x128x3xf32, #tpu.memory_space<vmem>> -> memref<1x128x3xf32, #tpu.memory_space<vmem>>
    %scatter3A_1074 = tpu.memref_squeeze %scatter3A_1073 : memref<1x128x3xf32, #tpu.memory_space<vmem>> -> memref<128x3xf32, #tpu.memory_space<vmem>>
    tpu.vector_store_idx %scatter3A_1074[%add3A_1041, %broadcast_in_dim3A_1065], %gather3A_1069 : memref<128x3xf32, #tpu.memory_space<vmem>>[vector<16xi32>, vector<16xi32>], vector<16xf32>,
    %get3A_1075 = arith.constant 352 : index
    %get3A_1076 = tpu.vector_load %arg7[%get3A_1075] {strides = array<i32>} : memref<512xi32, #tpu.memory_space<vmem>>, vector<16xi32>,
    %mul3A_1077 = arith.constant 3 : i32
    %mul3A_1078 = vector.broadcast %mul3A_1077 : i32 to vector<16xi32>
    %mul3A_1079 = arith.muli %get3A_1076, %mul3A_1078 : vector<16xi32>
    %add3A_1080 = arith.constant 96 : i32
    %add3A_1081 = vector.broadcast %add3A_1080 : i32 to vector<16xi32>
    %add3A_1082 = arith.addi %iota3A, %add3A_1081 : vector<16xi32>
    %broadcast_in_dim3A_1083 = arith.constant 0 : i32
    %broadcast_in_dim3A_1084 = vector.broadcast %broadcast_in_dim3A_1083 : i32 to vector<16xi32>
    %add3A_1085 = arith.constant 0 : i32
    %add3A_1086 = vector.broadcast %add3A_1085 : i32 to vector<16xi32>
    %add3A_1087 = arith.addi %mul3A_1079, %add3A_1086 : vector<16xi32>
    %gather3A_1088 = tpu.vector_load_idx %arg6[%add3A_1087] : memref<3072xf32, #tpu.memory_space<vmem>>[vector<16xi32>], vector<16xf32>,
    %scatter3A_1089 = arith.constant 0 : i32
    %scatter3A_1090 = arith.constant 0 : i32
    %scatter3A_1091 = arith.constant 0 : i32
    %scatter3A_1092 = tpu.memref_slice %arg8[%scatter3A_1089, %scatter3A_1090, %scatter3A_1091] : memref<2x128x3xf32, #tpu.memory_space<vmem>> -> memref<1x128x3xf32, #tpu.memory_space<vmem>>
    %scatter3A_1093 = tpu.memref_squeeze %scatter3A_1092 : memref<1x128x3xf32, #tpu.memory_space<vmem>> -> memref<128x3xf32, #tpu.memory_space<vmem>>
    tpu.vector_store_idx %scatter3A_1093[%add3A_1082, %broadcast_in_dim3A_1084], %gather3A_1088 : memref<128x3xf32, #tpu.memory_space<vmem>>[vector<16xi32>, vector<16xi32>], vector<16xf32>,
    %broadcast_in_dim3A_1094 = arith.constant 1 : i32
    %broadcast_in_dim3A_1095 = vector.broadcast %broadcast_in_dim3A_1094 : i32 to vector<16xi32>
    %add3A_1096 = arith.constant 1 : i32
    %add3A_1097 = vector.broadcast %add3A_1096 : i32 to vector<16xi32>
    %add3A_1098 = arith.addi %mul3A_1079, %add3A_1097 : vector<16xi32>
    %gather3A_1099 = tpu.vector_load_idx %arg6[%add3A_1098] : memref<3072xf32, #tpu.memory_space<vmem>>[vector<16xi32>], vector<16xf32>,
    %scatter3A_1100 = arith.constant 0 : i32
    %scatter3A_1101 = arith.constant 0 : i32
    %scatter3A_1102 = arith.constant 0 : i32
    %scatter3A_1103 = tpu.memref_slice %arg8[%scatter3A_1100, %scatter3A_1101, %scatter3A_1102] : memref<2x128x3xf32, #tpu.memory_space<vmem>> -> memref<1x128x3xf32, #tpu.memory_space<vmem>>
    %scatter3A_1104 = tpu.memref_squeeze %scatter3A_1103 : memref<1x128x3xf32, #tpu.memory_space<vmem>> -> memref<128x3xf32, #tpu.memory_space<vmem>>
    tpu.vector_store_idx %scatter3A_1104[%add3A_1082, %broadcast_in_dim3A_1095], %gather3A_1099 : memref<128x3xf32, #tpu.memory_space<vmem>>[vector<16xi32>, vector<16xi32>], vector<16xf32>,
    %broadcast_in_dim3A_1105 = arith.constant 2 : i32
    %broadcast_in_dim3A_1106 = vector.broadcast %broadcast_in_dim3A_1105 : i32 to vector<16xi32>
    %add3A_1107 = arith.constant 2 : i32
    %add3A_1108 = vector.broadcast %add3A_1107 : i32 to vector<16xi32>
    %add3A_1109 = arith.addi %mul3A_1079, %add3A_1108 : vector<16xi32>
    %gather3A_1110 = tpu.vector_load_idx %arg6[%add3A_1109] : memref<3072xf32, #tpu.memory_space<vmem>>[vector<16xi32>], vector<16xf32>,
    %scatter3A_1111 = arith.constant 0 : i32
    %scatter3A_1112 = arith.constant 0 : i32
    %scatter3A_1113 = arith.constant 0 : i32
    %scatter3A_1114 = tpu.memref_slice %arg8[%scatter3A_1111, %scatter3A_1112, %scatter3A_1113] : memref<2x128x3xf32, #tpu.memory_space<vmem>> -> memref<1x128x3xf32, #tpu.memory_space<vmem>>
    %scatter3A_1115 = tpu.memref_squeeze %scatter3A_1114 : memref<1x128x3xf32, #tpu.memory_space<vmem>> -> memref<128x3xf32, #tpu.memory_space<vmem>>
    tpu.vector_store_idx %scatter3A_1115[%add3A_1082, %broadcast_in_dim3A_1106], %gather3A_1110 : memref<128x3xf32, #tpu.memory_space<vmem>>[vector<16xi32>, vector<16xi32>], vector<16xf32>,
    %get3A_1116 = arith.constant 368 : index
    %get3A_1117 = tpu.vector_load %arg7[%get3A_1116] {strides = array<i32>} : memref<512xi32, #tpu.memory_space<vmem>>, vector<16xi32>,
    %mul3A_1118 = arith.constant 3 : i32
    %mul3A_1119 = vector.broadcast %mul3A_1118 : i32 to vector<16xi32>
    %mul3A_1120 = arith.muli %get3A_1117, %mul3A_1119 : vector<16xi32>
    %add3A_1121 = arith.constant 112 : i32
    %add3A_1122 = vector.broadcast %add3A_1121 : i32 to vector<16xi32>
    %add3A_1123 = arith.addi %iota3A, %add3A_1122 : vector<16xi32>
    %broadcast_in_dim3A_1124 = arith.constant 0 : i32
    %broadcast_in_dim3A_1125 = vector.broadcast %broadcast_in_dim3A_1124 : i32 to vector<16xi32>
    %add3A_1126 = arith.constant 0 : i32
    %add3A_1127 = vector.broadcast %add3A_1126 : i32 to vector<16xi32>
    %add3A_1128 = arith.addi %mul3A_1120, %add3A_1127 : vector<16xi32>
    %gather3A_1129 = tpu.vector_load_idx %arg6[%add3A_1128] : memref<3072xf32, #tpu.memory_space<vmem>>[vector<16xi32>], vector<16xf32>,
    %scatter3A_1130 = arith.constant 0 : i32
    %scatter3A_1131 = arith.constant 0 : i32
    %scatter3A_1132 = arith.constant 0 : i32
    %scatter3A_1133 = tpu.memref_slice %arg8[%scatter3A_1130, %scatter3A_1131, %scatter3A_1132] : memref<2x128x3xf32, #tpu.memory_space<vmem>> -> memref<1x128x3xf32, #tpu.memory_space<vmem>>
    %scatter3A_1134 = tpu.memref_squeeze %scatter3A_1133 : memref<1x128x3xf32, #tpu.memory_space<vmem>> -> memref<128x3xf32, #tpu.memory_space<vmem>>
    tpu.vector_store_idx %scatter3A_1134[%add3A_1123, %broadcast_in_dim3A_1125], %gather3A_1129 : memref<128x3xf32, #tpu.memory_space<vmem>>[vector<16xi32>, vector<16xi32>], vector<16xf32>,
    %broadcast_in_dim3A_1135 = arith.constant 1 : i32
    %broadcast_in_dim3A_1136 = vector.broadcast %broadcast_in_dim3A_1135 : i32 to vector<16xi32>
    %add3A_1137 = arith.constant 1 : i32
    %add3A_1138 = vector.broadcast %add3A_1137 : i32 to vector<16xi32>
    %add3A_1139 = arith.addi %mul3A_1120, %add3A_1138 : vector<16xi32>
    %gather3A_1140 = tpu.vector_load_idx %arg6[%add3A_1139] : memref<3072xf32, #tpu.memory_space<vmem>>[vector<16xi32>], vector<16xf32>,
    %scatter3A_1141 = arith.constant 0 : i32
    %scatter3A_1142 = arith.constant 0 : i32
    %scatter3A_1143 = arith.constant 0 : i32
    %scatter3A_1144 = tpu.memref_slice %arg8[%scatter3A_1141, %scatter3A_1142, %scatter3A_1143] : memref<2x128x3xf32, #tpu.memory_space<vmem>> -> memref<1x128x3xf32, #tpu.memory_space<vmem>>
    %scatter3A_1145 = tpu.memref_squeeze %scatter3A_1144 : memref<1x128x3xf32, #tpu.memory_space<vmem>> -> memref<128x3xf32, #tpu.memory_space<vmem>>
    tpu.vector_store_idx %scatter3A_1145[%add3A_1123, %broadcast_in_dim3A_1136], %gather3A_1140 : memref<128x3xf32, #tpu.memory_space<vmem>>[vector<16xi32>, vector<16xi32>], vector<16xf32>,
    %broadcast_in_dim3A_1146 = arith.constant 2 : i32
    %broadcast_in_dim3A_1147 = vector.broadcast %broadcast_in_dim3A_1146 : i32 to vector<16xi32>
    %add3A_1148 = arith.constant 2 : i32
    %add3A_1149 = vector.broadcast %add3A_1148 : i32 to vector<16xi32>
    %add3A_1150 = arith.addi %mul3A_1120, %add3A_1149 : vector<16xi32>
    %gather3A_1151 = tpu.vector_load_idx %arg6[%add3A_1150] : memref<3072xf32, #tpu.memory_space<vmem>>[vector<16xi32>], vector<16xf32>,
    %scatter3A_1152 = arith.constant 0 : i32
    %scatter3A_1153 = arith.constant 0 : i32
    %scatter3A_1154 = arith.constant 0 : i32
    %scatter3A_1155 = tpu.memref_slice %arg8[%scatter3A_1152, %scatter3A_1153, %scatter3A_1154] : memref<2x128x3xf32, #tpu.memory_space<vmem>> -> memref<1x128x3xf32, #tpu.memory_space<vmem>>
    %scatter3A_1156 = tpu.memref_squeeze %scatter3A_1155 : memref<1x128x3xf32, #tpu.memory_space<vmem>> -> memref<128x3xf32, #tpu.memory_space<vmem>>
    tpu.vector_store_idx %scatter3A_1156[%add3A_1123, %broadcast_in_dim3A_1147], %gather3A_1151 : memref<128x3xf32, #tpu.memory_space<vmem>>[vector<16xi32>, vector<16xi32>], vector<16xf32>,
    %add3A_1157 = arith.constant 256 : i32
    %add3A_1158 = arith.addi %mul3A_2, %add3A_1157 : i32
    %dma_start3A_1159 = arith.constant 0 : i32
    %dma_start3A_1160 = arith.constant 0 : i32
    %dma_start3A_1161 = arith.constant 0 : i32
    %dma_start3A_1162 = arith.constant 0 : i32
    %dma_start3A_1163 = tpu.memref_slice %arg8[%dma_start3A_1159, %dma_start3A_1161, %dma_start3A_1162] : memref<2x128x3xf32, #tpu.memory_space<vmem>> -> memref<1x128x3xf32, #tpu.memory_space<vmem>>
    %dma_start3A_1164 = tpu.memref_squeeze %dma_start3A_1163 : memref<1x128x3xf32, #tpu.memory_space<vmem>> -> memref<128x3xf32, #tpu.memory_space<vmem>>
    %dma_start3A_1165 = arith.constant 0 : i32
    %dma_start3A_1166 = tpu.memref_slice %arg4[%add3A_1158, %dma_start3A_1165] : memref<16384x3xf32, #tpu.memory_space<hbm>> -> memref<128x3xf32, #tpu.memory_space<hbm>>
    %dma_start3A_1167 = tpu.memref_slice %arg11[%dma_start3A_1160] : memref<2x!tpu.dma_semaphore, #tpu.memory_space<semaphore_mem>> -> memref<1x!tpu.dma_semaphore, #tpu.memory_space<semaphore_mem>>
    %dma_start3A_1168 = tpu.memref_squeeze %dma_start3A_1167 : memref<1x!tpu.dma_semaphore, #tpu.memory_space<semaphore_mem>> -> memref<!tpu.dma_semaphore, #tpu.memory_space<semaphore_mem>>
    %dma_start3A_1169 = arith.constant 0 : i32
    %dma_start3A_1170 = tpu.memref_slice %arg4[%add3A_1158, %dma_start3A_1169] : memref<16384x3xf32, #tpu.memory_space<hbm>> -> memref<128x3xf32, #tpu.memory_space<hbm>>
    %dma_start3A_1171 = arith.constant 0 : i32
    %dma_start3A_1172 = arith.constant 0 : i32
    %dma_start3A_1173 = tpu.memref_slice %arg8[%dma_start3A_1159, %dma_start3A_1171, %dma_start3A_1172] : memref<2x128x3xf32, #tpu.memory_space<vmem>> -> memref<1x128x3xf32, #tpu.memory_space<vmem>>
    %dma_start3A_1174 = tpu.memref_squeeze %dma_start3A_1173 : memref<1x128x3xf32, #tpu.memory_space<vmem>> -> memref<128x3xf32, #tpu.memory_space<vmem>>
    tpu.enqueue_dma source(%dma_start3A_1174 : memref<128x3xf32, #tpu.memory_space<vmem>>) target(%dma_start3A_1170 : memref<128x3xf32, #tpu.memory_space<hbm>>) target_semaphore(%dma_start3A_1168 : memref<!tpu.dma_semaphore, #tpu.memory_space<semaphore_mem>>)
    %dma_wait3A_1175 = arith.constant 1 : i32
    %dma_wait3A_1176 = arith.constant 1 : i32
    %dma_wait3A_1177 = arith.constant 0 : i32
    %dma_wait3A_1178 = arith.constant 0 : i32
    %dma_wait3A_1179 = tpu.memref_slice %arg8[%dma_wait3A_1175, %dma_wait3A_1177, %dma_wait3A_1178] : memref<2x128x3xf32, #tpu.memory_space<vmem>> -> memref<1x128x3xf32, #tpu.memory_space<vmem>>
    %dma_wait3A_1180 = tpu.memref_squeeze %dma_wait3A_1179 : memref<1x128x3xf32, #tpu.memory_space<vmem>> -> memref<128x3xf32, #tpu.memory_space<vmem>>
    %dma_wait3A_1181 = arith.constant 0 : i32
    %dma_wait3A_1182 = tpu.memref_slice %arg4[%add3A_796, %dma_wait3A_1181] : memref<16384x3xf32, #tpu.memory_space<hbm>> -> memref<128x3xf32, #tpu.memory_space<hbm>>
    %dma_wait3A_1183 = tpu.memref_slice %arg11[%dma_wait3A_1176] : memref<2x!tpu.dma_semaphore, #tpu.memory_space<semaphore_mem>> -> memref<1x!tpu.dma_semaphore, #tpu.memory_space<semaphore_mem>>
    %dma_wait3A_1184 = tpu.memref_squeeze %dma_wait3A_1183 : memref<1x!tpu.dma_semaphore, #tpu.memory_space<semaphore_mem>> -> memref<!tpu.dma_semaphore, #tpu.memory_space<semaphore_mem>>
    %dma_wait3A_1185 = arith.constant 0 : i32
    %dma_wait3A_1186 = tpu.memref_slice %arg4[%add3A_796, %dma_wait3A_1185] : memref<16384x3xf32, #tpu.memory_space<hbm>> -> memref<128x3xf32, #tpu.memory_space<hbm>>
    %dma_wait3A_1187 = arith.constant 0 : i32
    %dma_wait3A_1188 = arith.constant 0 : i32
    %dma_wait3A_1189 = tpu.memref_slice %arg8[%dma_wait3A_1175, %dma_wait3A_1187, %dma_wait3A_1188] : memref<2x128x3xf32, #tpu.memory_space<vmem>> -> memref<1x128x3xf32, #tpu.memory_space<vmem>>
    %dma_wait3A_1190 = tpu.memref_squeeze %dma_wait3A_1189 : memref<1x128x3xf32, #tpu.memory_space<vmem>> -> memref<128x3xf32, #tpu.memory_space<vmem>>
    tpu.wait_dma2 semaphore(%dma_wait3A_1184 : memref<!tpu.dma_semaphore, #tpu.memory_space<semaphore_mem>>) src(%dma_wait3A_1190 : memref<128x3xf32, #tpu.memory_space<vmem>>) dst(%dma_wait3A_1186 : memref<128x3xf32, #tpu.memory_space<hbm>>)
    %get3A_1191 = arith.constant 384 : index
    %get3A_1192 = tpu.vector_load %arg7[%get3A_1191] {strides = array<i32>} : memref<512xi32, #tpu.memory_space<vmem>>, vector<16xi32>,
    %mul3A_1193 = arith.constant 3 : i32
    %mul3A_1194 = vector.broadcast %mul3A_1193 : i32 to vector<16xi32>
    %mul3A_1195 = arith.muli %get3A_1192, %mul3A_1194 : vector<16xi32>
    %add3A_1196 = arith.constant 0 : i32
    %add3A_1197 = vector.broadcast %add3A_1196 : i32 to vector<16xi32>
    %add3A_1198 = arith.addi %iota3A, %add3A_1197 : vector<16xi32>
    %broadcast_in_dim3A_1199 = arith.constant 0 : i32
    %broadcast_in_dim3A_1200 = vector.broadcast %broadcast_in_dim3A_1199 : i32 to vector<16xi32>
    %add3A_1201 = arith.constant 0 : i32
    %add3A_1202 = vector.broadcast %add3A_1201 : i32 to vector<16xi32>
    %add3A_1203 = arith.addi %mul3A_1195, %add3A_1202 : vector<16xi32>
    %gather3A_1204 = tpu.vector_load_idx %arg6[%add3A_1203] : memref<3072xf32, #tpu.memory_space<vmem>>[vector<16xi32>], vector<16xf32>,
    %scatter3A_1205 = arith.constant 1 : i32
    %scatter3A_1206 = arith.constant 0 : i32
    %scatter3A_1207 = arith.constant 0 : i32
    %scatter3A_1208 = tpu.memref_slice %arg8[%scatter3A_1205, %scatter3A_1206, %scatter3A_1207] : memref<2x128x3xf32, #tpu.memory_space<vmem>> -> memref<1x128x3xf32, #tpu.memory_space<vmem>>
    %scatter3A_1209 = tpu.memref_squeeze %scatter3A_1208 : memref<1x128x3xf32, #tpu.memory_space<vmem>> -> memref<128x3xf32, #tpu.memory_space<vmem>>
    tpu.vector_store_idx %scatter3A_1209[%add3A_1198, %broadcast_in_dim3A_1200], %gather3A_1204 : memref<128x3xf32, #tpu.memory_space<vmem>>[vector<16xi32>, vector<16xi32>], vector<16xf32>,
    %broadcast_in_dim3A_1210 = arith.constant 1 : i32
    %broadcast_in_dim3A_1211 = vector.broadcast %broadcast_in_dim3A_1210 : i32 to vector<16xi32>
    %add3A_1212 = arith.constant 1 : i32
    %add3A_1213 = vector.broadcast %add3A_1212 : i32 to vector<16xi32>
    %add3A_1214 = arith.addi %mul3A_1195, %add3A_1213 : vector<16xi32>
    %gather3A_1215 = tpu.vector_load_idx %arg6[%add3A_1214] : memref<3072xf32, #tpu.memory_space<vmem>>[vector<16xi32>], vector<16xf32>,
    %scatter3A_1216 = arith.constant 1 : i32
    %scatter3A_1217 = arith.constant 0 : i32
    %scatter3A_1218 = arith.constant 0 : i32
    %scatter3A_1219 = tpu.memref_slice %arg8[%scatter3A_1216, %scatter3A_1217, %scatter3A_1218] : memref<2x128x3xf32, #tpu.memory_space<vmem>> -> memref<1x128x3xf32, #tpu.memory_space<vmem>>
    %scatter3A_1220 = tpu.memref_squeeze %scatter3A_1219 : memref<1x128x3xf32, #tpu.memory_space<vmem>> -> memref<128x3xf32, #tpu.memory_space<vmem>>
    tpu.vector_store_idx %scatter3A_1220[%add3A_1198, %broadcast_in_dim3A_1211], %gather3A_1215 : memref<128x3xf32, #tpu.memory_space<vmem>>[vector<16xi32>, vector<16xi32>], vector<16xf32>,
    %broadcast_in_dim3A_1221 = arith.constant 2 : i32
    %broadcast_in_dim3A_1222 = vector.broadcast %broadcast_in_dim3A_1221 : i32 to vector<16xi32>
    %add3A_1223 = arith.constant 2 : i32
    %add3A_1224 = vector.broadcast %add3A_1223 : i32 to vector<16xi32>
    %add3A_1225 = arith.addi %mul3A_1195, %add3A_1224 : vector<16xi32>
    %gather3A_1226 = tpu.vector_load_idx %arg6[%add3A_1225] : memref<3072xf32, #tpu.memory_space<vmem>>[vector<16xi32>], vector<16xf32>,
    %scatter3A_1227 = arith.constant 1 : i32
    %scatter3A_1228 = arith.constant 0 : i32
    %scatter3A_1229 = arith.constant 0 : i32
    %scatter3A_1230 = tpu.memref_slice %arg8[%scatter3A_1227, %scatter3A_1228, %scatter3A_1229] : memref<2x128x3xf32, #tpu.memory_space<vmem>> -> memref<1x128x3xf32, #tpu.memory_space<vmem>>
    %scatter3A_1231 = tpu.memref_squeeze %scatter3A_1230 : memref<1x128x3xf32, #tpu.memory_space<vmem>> -> memref<128x3xf32, #tpu.memory_space<vmem>>
    tpu.vector_store_idx %scatter3A_1231[%add3A_1198, %broadcast_in_dim3A_1222], %gather3A_1226 : memref<128x3xf32, #tpu.memory_space<vmem>>[vector<16xi32>, vector<16xi32>], vector<16xf32>,
    %get3A_1232 = arith.constant 400 : index
    %get3A_1233 = tpu.vector_load %arg7[%get3A_1232] {strides = array<i32>} : memref<512xi32, #tpu.memory_space<vmem>>, vector<16xi32>,
    %mul3A_1234 = arith.constant 3 : i32
    %mul3A_1235 = vector.broadcast %mul3A_1234 : i32 to vector<16xi32>
    %mul3A_1236 = arith.muli %get3A_1233, %mul3A_1235 : vector<16xi32>
    %add3A_1237 = arith.constant 16 : i32
    %add3A_1238 = vector.broadcast %add3A_1237 : i32 to vector<16xi32>
    %add3A_1239 = arith.addi %iota3A, %add3A_1238 : vector<16xi32>
    %broadcast_in_dim3A_1240 = arith.constant 0 : i32
    %broadcast_in_dim3A_1241 = vector.broadcast %broadcast_in_dim3A_1240 : i32 to vector<16xi32>
    %add3A_1242 = arith.constant 0 : i32
    %add3A_1243 = vector.broadcast %add3A_1242 : i32 to vector<16xi32>
    %add3A_1244 = arith.addi %mul3A_1236, %add3A_1243 : vector<16xi32>
    %gather3A_1245 = tpu.vector_load_idx %arg6[%add3A_1244] : memref<3072xf32, #tpu.memory_space<vmem>>[vector<16xi32>], vector<16xf32>,
    %scatter3A_1246 = arith.constant 1 : i32
    %scatter3A_1247 = arith.constant 0 : i32
    %scatter3A_1248 = arith.constant 0 : i32
    %scatter3A_1249 = tpu.memref_slice %arg8[%scatter3A_1246, %scatter3A_1247, %scatter3A_1248] : memref<2x128x3xf32, #tpu.memory_space<vmem>> -> memref<1x128x3xf32, #tpu.memory_space<vmem>>
    %scatter3A_1250 = tpu.memref_squeeze %scatter3A_1249 : memref<1x128x3xf32, #tpu.memory_space<vmem>> -> memref<128x3xf32, #tpu.memory_space<vmem>>
    tpu.vector_store_idx %scatter3A_1250[%add3A_1239, %broadcast_in_dim3A_1241], %gather3A_1245 : memref<128x3xf32, #tpu.memory_space<vmem>>[vector<16xi32>, vector<16xi32>], vector<16xf32>,
    %broadcast_in_dim3A_1251 = arith.constant 1 : i32
    %broadcast_in_dim3A_1252 = vector.broadcast %broadcast_in_dim3A_1251 : i32 to vector<16xi32>
    %add3A_1253 = arith.constant 1 : i32
    %add3A_1254 = vector.broadcast %add3A_1253 : i32 to vector<16xi32>
    %add3A_1255 = arith.addi %mul3A_1236, %add3A_1254 : vector<16xi32>
    %gather3A_1256 = tpu.vector_load_idx %arg6[%add3A_1255] : memref<3072xf32, #tpu.memory_space<vmem>>[vector<16xi32>], vector<16xf32>,
    %scatter3A_1257 = arith.constant 1 : i32
    %scatter3A_1258 = arith.constant 0 : i32
    %scatter3A_1259 = arith.constant 0 : i32
    %scatter3A_1260 = tpu.memref_slice %arg8[%scatter3A_1257, %scatter3A_1258, %scatter3A_1259] : memref<2x128x3xf32, #tpu.memory_space<vmem>> -> memref<1x128x3xf32, #tpu.memory_space<vmem>>
    %scatter3A_1261 = tpu.memref_squeeze %scatter3A_1260 : memref<1x128x3xf32, #tpu.memory_space<vmem>> -> memref<128x3xf32, #tpu.memory_space<vmem>>
    tpu.vector_store_idx %scatter3A_1261[%add3A_1239, %broadcast_in_dim3A_1252], %gather3A_1256 : memref<128x3xf32, #tpu.memory_space<vmem>>[vector<16xi32>, vector<16xi32>], vector<16xf32>,
    %broadcast_in_dim3A_1262 = arith.constant 2 : i32
    %broadcast_in_dim3A_1263 = vector.broadcast %broadcast_in_dim3A_1262 : i32 to vector<16xi32>
    %add3A_1264 = arith.constant 2 : i32
    %add3A_1265 = vector.broadcast %add3A_1264 : i32 to vector<16xi32>
    %add3A_1266 = arith.addi %mul3A_1236, %add3A_1265 : vector<16xi32>
    %gather3A_1267 = tpu.vector_load_idx %arg6[%add3A_1266] : memref<3072xf32, #tpu.memory_space<vmem>>[vector<16xi32>], vector<16xf32>,
    %scatter3A_1268 = arith.constant 1 : i32
    %scatter3A_1269 = arith.constant 0 : i32
    %scatter3A_1270 = arith.constant 0 : i32
    %scatter3A_1271 = tpu.memref_slice %arg8[%scatter3A_1268, %scatter3A_1269, %scatter3A_1270] : memref<2x128x3xf32, #tpu.memory_space<vmem>> -> memref<1x128x3xf32, #tpu.memory_space<vmem>>
    %scatter3A_1272 = tpu.memref_squeeze %scatter3A_1271 : memref<1x128x3xf32, #tpu.memory_space<vmem>> -> memref<128x3xf32, #tpu.memory_space<vmem>>
    tpu.vector_store_idx %scatter3A_1272[%add3A_1239, %broadcast_in_dim3A_1263], %gather3A_1267 : memref<128x3xf32, #tpu.memory_space<vmem>>[vector<16xi32>, vector<16xi32>], vector<16xf32>,
    %get3A_1273 = arith.constant 416 : index
    %get3A_1274 = tpu.vector_load %arg7[%get3A_1273] {strides = array<i32>} : memref<512xi32, #tpu.memory_space<vmem>>, vector<16xi32>,
    %mul3A_1275 = arith.constant 3 : i32
    %mul3A_1276 = vector.broadcast %mul3A_1275 : i32 to vector<16xi32>
    %mul3A_1277 = arith.muli %get3A_1274, %mul3A_1276 : vector<16xi32>
    %add3A_1278 = arith.constant 32 : i32
    %add3A_1279 = vector.broadcast %add3A_1278 : i32 to vector<16xi32>
    %add3A_1280 = arith.addi %iota3A, %add3A_1279 : vector<16xi32>
    %broadcast_in_dim3A_1281 = arith.constant 0 : i32
    %broadcast_in_dim3A_1282 = vector.broadcast %broadcast_in_dim3A_1281 : i32 to vector<16xi32>
    %add3A_1283 = arith.constant 0 : i32
    %add3A_1284 = vector.broadcast %add3A_1283 : i32 to vector<16xi32>
    %add3A_1285 = arith.addi %mul3A_1277, %add3A_1284 : vector<16xi32>
    %gather3A_1286 = tpu.vector_load_idx %arg6[%add3A_1285] : memref<3072xf32, #tpu.memory_space<vmem>>[vector<16xi32>], vector<16xf32>,
    %scatter3A_1287 = arith.constant 1 : i32
    %scatter3A_1288 = arith.constant 0 : i32
    %scatter3A_1289 = arith.constant 0 : i32
    %scatter3A_1290 = tpu.memref_slice %arg8[%scatter3A_1287, %scatter3A_1288, %scatter3A_1289] : memref<2x128x3xf32, #tpu.memory_space<vmem>> -> memref<1x128x3xf32, #tpu.memory_space<vmem>>
    %scatter3A_1291 = tpu.memref_squeeze %scatter3A_1290 : memref<1x128x3xf32, #tpu.memory_space<vmem>> -> memref<128x3xf32, #tpu.memory_space<vmem>>
    tpu.vector_store_idx %scatter3A_1291[%add3A_1280, %broadcast_in_dim3A_1282], %gather3A_1286 : memref<128x3xf32, #tpu.memory_space<vmem>>[vector<16xi32>, vector<16xi32>], vector<16xf32>,
    %broadcast_in_dim3A_1292 = arith.constant 1 : i32
    %broadcast_in_dim3A_1293 = vector.broadcast %broadcast_in_dim3A_1292 : i32 to vector<16xi32>
    %add3A_1294 = arith.constant 1 : i32
    %add3A_1295 = vector.broadcast %add3A_1294 : i32 to vector<16xi32>
    %add3A_1296 = arith.addi %mul3A_1277, %add3A_1295 : vector<16xi32>
    %gather3A_1297 = tpu.vector_load_idx %arg6[%add3A_1296] : memref<3072xf32, #tpu.memory_space<vmem>>[vector<16xi32>], vector<16xf32>,
    %scatter3A_1298 = arith.constant 1 : i32
    %scatter3A_1299 = arith.constant 0 : i32
    %scatter3A_1300 = arith.constant 0 : i32
    %scatter3A_1301 = tpu.memref_slice %arg8[%scatter3A_1298, %scatter3A_1299, %scatter3A_1300] : memref<2x128x3xf32, #tpu.memory_space<vmem>> -> memref<1x128x3xf32, #tpu.memory_space<vmem>>
    %scatter3A_1302 = tpu.memref_squeeze %scatter3A_1301 : memref<1x128x3xf32, #tpu.memory_space<vmem>> -> memref<128x3xf32, #tpu.memory_space<vmem>>
    tpu.vector_store_idx %scatter3A_1302[%add3A_1280, %broadcast_in_dim3A_1293], %gather3A_1297 : memref<128x3xf32, #tpu.memory_space<vmem>>[vector<16xi32>, vector<16xi32>], vector<16xf32>,
    %broadcast_in_dim3A_1303 = arith.constant 2 : i32
    %broadcast_in_dim3A_1304 = vector.broadcast %broadcast_in_dim3A_1303 : i32 to vector<16xi32>
    %add3A_1305 = arith.constant 2 : i32
    %add3A_1306 = vector.broadcast %add3A_1305 : i32 to vector<16xi32>
    %add3A_1307 = arith.addi %mul3A_1277, %add3A_1306 : vector<16xi32>
    %gather3A_1308 = tpu.vector_load_idx %arg6[%add3A_1307] : memref<3072xf32, #tpu.memory_space<vmem>>[vector<16xi32>], vector<16xf32>,
    %scatter3A_1309 = arith.constant 1 : i32
    %scatter3A_1310 = arith.constant 0 : i32
    %scatter3A_1311 = arith.constant 0 : i32
    %scatter3A_1312 = tpu.memref_slice %arg8[%scatter3A_1309, %scatter3A_1310, %scatter3A_1311] : memref<2x128x3xf32, #tpu.memory_space<vmem>> -> memref<1x128x3xf32, #tpu.memory_space<vmem>>
    %scatter3A_1313 = tpu.memref_squeeze %scatter3A_1312 : memref<1x128x3xf32, #tpu.memory_space<vmem>> -> memref<128x3xf32, #tpu.memory_space<vmem>>
    tpu.vector_store_idx %scatter3A_1313[%add3A_1280, %broadcast_in_dim3A_1304], %gather3A_1308 : memref<128x3xf32, #tpu.memory_space<vmem>>[vector<16xi32>, vector<16xi32>], vector<16xf32>,
    %get3A_1314 = arith.constant 432 : index
    %get3A_1315 = tpu.vector_load %arg7[%get3A_1314] {strides = array<i32>} : memref<512xi32, #tpu.memory_space<vmem>>, vector<16xi32>,
    %mul3A_1316 = arith.constant 3 : i32
    %mul3A_1317 = vector.broadcast %mul3A_1316 : i32 to vector<16xi32>
    %mul3A_1318 = arith.muli %get3A_1315, %mul3A_1317 : vector<16xi32>
    %add3A_1319 = arith.constant 48 : i32
    %add3A_1320 = vector.broadcast %add3A_1319 : i32 to vector<16xi32>
    %add3A_1321 = arith.addi %iota3A, %add3A_1320 : vector<16xi32>
    %broadcast_in_dim3A_1322 = arith.constant 0 : i32
    %broadcast_in_dim3A_1323 = vector.broadcast %broadcast_in_dim3A_1322 : i32 to vector<16xi32>
    %add3A_1324 = arith.constant 0 : i32
    %add3A_1325 = vector.broadcast %add3A_1324 : i32 to vector<16xi32>
    %add3A_1326 = arith.addi %mul3A_1318, %add3A_1325 : vector<16xi32>
    %gather3A_1327 = tpu.vector_load_idx %arg6[%add3A_1326] : memref<3072xf32, #tpu.memory_space<vmem>>[vector<16xi32>], vector<16xf32>,
    %scatter3A_1328 = arith.constant 1 : i32
    %scatter3A_1329 = arith.constant 0 : i32
    %scatter3A_1330 = arith.constant 0 : i32
    %scatter3A_1331 = tpu.memref_slice %arg8[%scatter3A_1328, %scatter3A_1329, %scatter3A_1330] : memref<2x128x3xf32, #tpu.memory_space<vmem>> -> memref<1x128x3xf32, #tpu.memory_space<vmem>>
    %scatter3A_1332 = tpu.memref_squeeze %scatter3A_1331 : memref<1x128x3xf32, #tpu.memory_space<vmem>> -> memref<128x3xf32, #tpu.memory_space<vmem>>
    tpu.vector_store_idx %scatter3A_1332[%add3A_1321, %broadcast_in_dim3A_1323], %gather3A_1327 : memref<128x3xf32, #tpu.memory_space<vmem>>[vector<16xi32>, vector<16xi32>], vector<16xf32>,
    %broadcast_in_dim3A_1333 = arith.constant 1 : i32
    %broadcast_in_dim3A_1334 = vector.broadcast %broadcast_in_dim3A_1333 : i32 to vector<16xi32>
    %add3A_1335 = arith.constant 1 : i32
    %add3A_1336 = vector.broadcast %add3A_1335 : i32 to vector<16xi32>
    %add3A_1337 = arith.addi %mul3A_1318, %add3A_1336 : vector<16xi32>
    %gather3A_1338 = tpu.vector_load_idx %arg6[%add3A_1337] : memref<3072xf32, #tpu.memory_space<vmem>>[vector<16xi32>], vector<16xf32>,
    %scatter3A_1339 = arith.constant 1 : i32
    %scatter3A_1340 = arith.constant 0 : i32
    %scatter3A_1341 = arith.constant 0 : i32
    %scatter3A_1342 = tpu.memref_slice %arg8[%scatter3A_1339, %scatter3A_1340, %scatter3A_1341] : memref<2x128x3xf32, #tpu.memory_space<vmem>> -> memref<1x128x3xf32, #tpu.memory_space<vmem>>
    %scatter3A_1343 = tpu.memref_squeeze %scatter3A_1342 : memref<1x128x3xf32, #tpu.memory_space<vmem>> -> memref<128x3xf32, #tpu.memory_space<vmem>>
    tpu.vector_store_idx %scatter3A_1343[%add3A_1321, %broadcast_in_dim3A_1334], %gather3A_1338 : memref<128x3xf32, #tpu.memory_space<vmem>>[vector<16xi32>, vector<16xi32>], vector<16xf32>,
    %broadcast_in_dim3A_1344 = arith.constant 2 : i32
    %broadcast_in_dim3A_1345 = vector.broadcast %broadcast_in_dim3A_1344 : i32 to vector<16xi32>
    %add3A_1346 = arith.constant 2 : i32
    %add3A_1347 = vector.broadcast %add3A_1346 : i32 to vector<16xi32>
    %add3A_1348 = arith.addi %mul3A_1318, %add3A_1347 : vector<16xi32>
    %gather3A_1349 = tpu.vector_load_idx %arg6[%add3A_1348] : memref<3072xf32, #tpu.memory_space<vmem>>[vector<16xi32>], vector<16xf32>,
    %scatter3A_1350 = arith.constant 1 : i32
    %scatter3A_1351 = arith.constant 0 : i32
    %scatter3A_1352 = arith.constant 0 : i32
    %scatter3A_1353 = tpu.memref_slice %arg8[%scatter3A_1350, %scatter3A_1351, %scatter3A_1352] : memref<2x128x3xf32, #tpu.memory_space<vmem>> -> memref<1x128x3xf32, #tpu.memory_space<vmem>>
    %scatter3A_1354 = tpu.memref_squeeze %scatter3A_1353 : memref<1x128x3xf32, #tpu.memory_space<vmem>> -> memref<128x3xf32, #tpu.memory_space<vmem>>
    tpu.vector_store_idx %scatter3A_1354[%add3A_1321, %broadcast_in_dim3A_1345], %gather3A_1349 : memref<128x3xf32, #tpu.memory_space<vmem>>[vector<16xi32>, vector<16xi32>], vector<16xf32>,
    %get3A_1355 = arith.constant 448 : index
    %get3A_1356 = tpu.vector_load %arg7[%get3A_1355] {strides = array<i32>} : memref<512xi32, #tpu.memory_space<vmem>>, vector<16xi32>,
    %mul3A_1357 = arith.constant 3 : i32
    %mul3A_1358 = vector.broadcast %mul3A_1357 : i32 to vector<16xi32>
    %mul3A_1359 = arith.muli %get3A_1356, %mul3A_1358 : vector<16xi32>
    %add3A_1360 = arith.constant 64 : i32
    %add3A_1361 = vector.broadcast %add3A_1360 : i32 to vector<16xi32>
    %add3A_1362 = arith.addi %iota3A, %add3A_1361 : vector<16xi32>
    %broadcast_in_dim3A_1363 = arith.constant 0 : i32
    %broadcast_in_dim3A_1364 = vector.broadcast %broadcast_in_dim3A_1363 : i32 to vector<16xi32>
    %add3A_1365 = arith.constant 0 : i32
    %add3A_1366 = vector.broadcast %add3A_1365 : i32 to vector<16xi32>
    %add3A_1367 = arith.addi %mul3A_1359, %add3A_1366 : vector<16xi32>
    %gather3A_1368 = tpu.vector_load_idx %arg6[%add3A_1367] : memref<3072xf32, #tpu.memory_space<vmem>>[vector<16xi32>], vector<16xf32>,
    %scatter3A_1369 = arith.constant 1 : i32
    %scatter3A_1370 = arith.constant 0 : i32
    %scatter3A_1371 = arith.constant 0 : i32
    %scatter3A_1372 = tpu.memref_slice %arg8[%scatter3A_1369, %scatter3A_1370, %scatter3A_1371] : memref<2x128x3xf32, #tpu.memory_space<vmem>> -> memref<1x128x3xf32, #tpu.memory_space<vmem>>
    %scatter3A_1373 = tpu.memref_squeeze %scatter3A_1372 : memref<1x128x3xf32, #tpu.memory_space<vmem>> -> memref<128x3xf32, #tpu.memory_space<vmem>>
    tpu.vector_store_idx %scatter3A_1373[%add3A_1362, %broadcast_in_dim3A_1364], %gather3A_1368 : memref<128x3xf32, #tpu.memory_space<vmem>>[vector<16xi32>, vector<16xi32>], vector<16xf32>,
    %broadcast_in_dim3A_1374 = arith.constant 1 : i32
    %broadcast_in_dim3A_1375 = vector.broadcast %broadcast_in_dim3A_1374 : i32 to vector<16xi32>
    %add3A_1376 = arith.constant 1 : i32
    %add3A_1377 = vector.broadcast %add3A_1376 : i32 to vector<16xi32>
    %add3A_1378 = arith.addi %mul3A_1359, %add3A_1377 : vector<16xi32>
    %gather3A_1379 = tpu.vector_load_idx %arg6[%add3A_1378] : memref<3072xf32, #tpu.memory_space<vmem>>[vector<16xi32>], vector<16xf32>,
    %scatter3A_1380 = arith.constant 1 : i32
    %scatter3A_1381 = arith.constant 0 : i32
    %scatter3A_1382 = arith.constant 0 : i32
    %scatter3A_1383 = tpu.memref_slice %arg8[%scatter3A_1380, %scatter3A_1381, %scatter3A_1382] : memref<2x128x3xf32, #tpu.memory_space<vmem>> -> memref<1x128x3xf32, #tpu.memory_space<vmem>>
    %scatter3A_1384 = tpu.memref_squeeze %scatter3A_1383 : memref<1x128x3xf32, #tpu.memory_space<vmem>> -> memref<128x3xf32, #tpu.memory_space<vmem>>
    tpu.vector_store_idx %scatter3A_1384[%add3A_1362, %broadcast_in_dim3A_1375], %gather3A_1379 : memref<128x3xf32, #tpu.memory_space<vmem>>[vector<16xi32>, vector<16xi32>], vector<16xf32>,
    %broadcast_in_dim3A_1385 = arith.constant 2 : i32
    %broadcast_in_dim3A_1386 = vector.broadcast %broadcast_in_dim3A_1385 : i32 to vector<16xi32>
    %add3A_1387 = arith.constant 2 : i32
    %add3A_1388 = vector.broadcast %add3A_1387 : i32 to vector<16xi32>
    %add3A_1389 = arith.addi %mul3A_1359, %add3A_1388 : vector<16xi32>
    %gather3A_1390 = tpu.vector_load_idx %arg6[%add3A_1389] : memref<3072xf32, #tpu.memory_space<vmem>>[vector<16xi32>], vector<16xf32>,
    %scatter3A_1391 = arith.constant 1 : i32
    %scatter3A_1392 = arith.constant 0 : i32
    %scatter3A_1393 = arith.constant 0 : i32
    %scatter3A_1394 = tpu.memref_slice %arg8[%scatter3A_1391, %scatter3A_1392, %scatter3A_1393] : memref<2x128x3xf32, #tpu.memory_space<vmem>> -> memref<1x128x3xf32, #tpu.memory_space<vmem>>
    %scatter3A_1395 = tpu.memref_squeeze %scatter3A_1394 : memref<1x128x3xf32, #tpu.memory_space<vmem>> -> memref<128x3xf32, #tpu.memory_space<vmem>>
    tpu.vector_store_idx %scatter3A_1395[%add3A_1362, %broadcast_in_dim3A_1386], %gather3A_1390 : memref<128x3xf32, #tpu.memory_space<vmem>>[vector<16xi32>, vector<16xi32>], vector<16xf32>,
    %get3A_1396 = arith.constant 464 : index
    %get3A_1397 = tpu.vector_load %arg7[%get3A_1396] {strides = array<i32>} : memref<512xi32, #tpu.memory_space<vmem>>, vector<16xi32>,
    %mul3A_1398 = arith.constant 3 : i32
    %mul3A_1399 = vector.broadcast %mul3A_1398 : i32 to vector<16xi32>
    %mul3A_1400 = arith.muli %get3A_1397, %mul3A_1399 : vector<16xi32>
    %add3A_1401 = arith.constant 80 : i32
    %add3A_1402 = vector.broadcast %add3A_1401 : i32 to vector<16xi32>
    %add3A_1403 = arith.addi %iota3A, %add3A_1402 : vector<16xi32>
    %broadcast_in_dim3A_1404 = arith.constant 0 : i32
    %broadcast_in_dim3A_1405 = vector.broadcast %broadcast_in_dim3A_1404 : i32 to vector<16xi32>
    %add3A_1406 = arith.constant 0 : i32
    %add3A_1407 = vector.broadcast %add3A_1406 : i32 to vector<16xi32>
    %add3A_1408 = arith.addi %mul3A_1400, %add3A_1407 : vector<16xi32>
    %gather3A_1409 = tpu.vector_load_idx %arg6[%add3A_1408] : memref<3072xf32, #tpu.memory_space<vmem>>[vector<16xi32>], vector<16xf32>,
    %scatter3A_1410 = arith.constant 1 : i32
    %scatter3A_1411 = arith.constant 0 : i32
    %scatter3A_1412 = arith.constant 0 : i32
    %scatter3A_1413 = tpu.memref_slice %arg8[%scatter3A_1410, %scatter3A_1411, %scatter3A_1412] : memref<2x128x3xf32, #tpu.memory_space<vmem>> -> memref<1x128x3xf32, #tpu.memory_space<vmem>>
    %scatter3A_1414 = tpu.memref_squeeze %scatter3A_1413 : memref<1x128x3xf32, #tpu.memory_space<vmem>> -> memref<128x3xf32, #tpu.memory_space<vmem>>
    tpu.vector_store_idx %scatter3A_1414[%add3A_1403, %broadcast_in_dim3A_1405], %gather3A_1409 : memref<128x3xf32, #tpu.memory_space<vmem>>[vector<16xi32>, vector<16xi32>], vector<16xf32>,
    %broadcast_in_dim3A_1415 = arith.constant 1 : i32
    %broadcast_in_dim3A_1416 = vector.broadcast %broadcast_in_dim3A_1415 : i32 to vector<16xi32>
    %add3A_1417 = arith.constant 1 : i32
    %add3A_1418 = vector.broadcast %add3A_1417 : i32 to vector<16xi32>
    %add3A_1419 = arith.addi %mul3A_1400, %add3A_1418 : vector<16xi32>
    %gather3A_1420 = tpu.vector_load_idx %arg6[%add3A_1419] : memref<3072xf32, #tpu.memory_space<vmem>>[vector<16xi32>], vector<16xf32>,
    %scatter3A_1421 = arith.constant 1 : i32
    %scatter3A_1422 = arith.constant 0 : i32
    %scatter3A_1423 = arith.constant 0 : i32
    %scatter3A_1424 = tpu.memref_slice %arg8[%scatter3A_1421, %scatter3A_1422, %scatter3A_1423] : memref<2x128x3xf32, #tpu.memory_space<vmem>> -> memref<1x128x3xf32, #tpu.memory_space<vmem>>
    %scatter3A_1425 = tpu.memref_squeeze %scatter3A_1424 : memref<1x128x3xf32, #tpu.memory_space<vmem>> -> memref<128x3xf32, #tpu.memory_space<vmem>>
    tpu.vector_store_idx %scatter3A_1425[%add3A_1403, %broadcast_in_dim3A_1416], %gather3A_1420 : memref<128x3xf32, #tpu.memory_space<vmem>>[vector<16xi32>, vector<16xi32>], vector<16xf32>,
    %broadcast_in_dim3A_1426 = arith.constant 2 : i32
    %broadcast_in_dim3A_1427 = vector.broadcast %broadcast_in_dim3A_1426 : i32 to vector<16xi32>
    %add3A_1428 = arith.constant 2 : i32
    %add3A_1429 = vector.broadcast %add3A_1428 : i32 to vector<16xi32>
    %add3A_1430 = arith.addi %mul3A_1400, %add3A_1429 : vector<16xi32>
    %gather3A_1431 = tpu.vector_load_idx %arg6[%add3A_1430] : memref<3072xf32, #tpu.memory_space<vmem>>[vector<16xi32>], vector<16xf32>,
    %scatter3A_1432 = arith.constant 1 : i32
    %scatter3A_1433 = arith.constant 0 : i32
    %scatter3A_1434 = arith.constant 0 : i32
    %scatter3A_1435 = tpu.memref_slice %arg8[%scatter3A_1432, %scatter3A_1433, %scatter3A_1434] : memref<2x128x3xf32, #tpu.memory_space<vmem>> -> memref<1x128x3xf32, #tpu.memory_space<vmem>>
    %scatter3A_1436 = tpu.memref_squeeze %scatter3A_1435 : memref<1x128x3xf32, #tpu.memory_space<vmem>> -> memref<128x3xf32, #tpu.memory_space<vmem>>
    tpu.vector_store_idx %scatter3A_1436[%add3A_1403, %broadcast_in_dim3A_1427], %gather3A_1431 : memref<128x3xf32, #tpu.memory_space<vmem>>[vector<16xi32>, vector<16xi32>], vector<16xf32>,
    %get3A_1437 = arith.constant 480 : index
    %get3A_1438 = tpu.vector_load %arg7[%get3A_1437] {strides = array<i32>} : memref<512xi32, #tpu.memory_space<vmem>>, vector<16xi32>,
    %mul3A_1439 = arith.constant 3 : i32
    %mul3A_1440 = vector.broadcast %mul3A_1439 : i32 to vector<16xi32>
    %mul3A_1441 = arith.muli %get3A_1438, %mul3A_1440 : vector<16xi32>
    %add3A_1442 = arith.constant 96 : i32
    %add3A_1443 = vector.broadcast %add3A_1442 : i32 to vector<16xi32>
    %add3A_1444 = arith.addi %iota3A, %add3A_1443 : vector<16xi32>
    %broadcast_in_dim3A_1445 = arith.constant 0 : i32
    %broadcast_in_dim3A_1446 = vector.broadcast %broadcast_in_dim3A_1445 : i32 to vector<16xi32>
    %add3A_1447 = arith.constant 0 : i32
    %add3A_1448 = vector.broadcast %add3A_1447 : i32 to vector<16xi32>
    %add3A_1449 = arith.addi %mul3A_1441, %add3A_1448 : vector<16xi32>
    %gather3A_1450 = tpu.vector_load_idx %arg6[%add3A_1449] : memref<3072xf32, #tpu.memory_space<vmem>>[vector<16xi32>], vector<16xf32>,
    %scatter3A_1451 = arith.constant 1 : i32
    %scatter3A_1452 = arith.constant 0 : i32
    %scatter3A_1453 = arith.constant 0 : i32
    %scatter3A_1454 = tpu.memref_slice %arg8[%scatter3A_1451, %scatter3A_1452, %scatter3A_1453] : memref<2x128x3xf32, #tpu.memory_space<vmem>> -> memref<1x128x3xf32, #tpu.memory_space<vmem>>
    %scatter3A_1455 = tpu.memref_squeeze %scatter3A_1454 : memref<1x128x3xf32, #tpu.memory_space<vmem>> -> memref<128x3xf32, #tpu.memory_space<vmem>>
    tpu.vector_store_idx %scatter3A_1455[%add3A_1444, %broadcast_in_dim3A_1446], %gather3A_1450 : memref<128x3xf32, #tpu.memory_space<vmem>>[vector<16xi32>, vector<16xi32>], vector<16xf32>,
    %broadcast_in_dim3A_1456 = arith.constant 1 : i32
    %broadcast_in_dim3A_1457 = vector.broadcast %broadcast_in_dim3A_1456 : i32 to vector<16xi32>
    %add3A_1458 = arith.constant 1 : i32
    %add3A_1459 = vector.broadcast %add3A_1458 : i32 to vector<16xi32>
    %add3A_1460 = arith.addi %mul3A_1441, %add3A_1459 : vector<16xi32>
    %gather3A_1461 = tpu.vector_load_idx %arg6[%add3A_1460] : memref<3072xf32, #tpu.memory_space<vmem>>[vector<16xi32>], vector<16xf32>,
    %scatter3A_1462 = arith.constant 1 : i32
    %scatter3A_1463 = arith.constant 0 : i32
    %scatter3A_1464 = arith.constant 0 : i32
    %scatter3A_1465 = tpu.memref_slice %arg8[%scatter3A_1462, %scatter3A_1463, %scatter3A_1464] : memref<2x128x3xf32, #tpu.memory_space<vmem>> -> memref<1x128x3xf32, #tpu.memory_space<vmem>>
    %scatter3A_1466 = tpu.memref_squeeze %scatter3A_1465 : memref<1x128x3xf32, #tpu.memory_space<vmem>> -> memref<128x3xf32, #tpu.memory_space<vmem>>
    tpu.vector_store_idx %scatter3A_1466[%add3A_1444, %broadcast_in_dim3A_1457], %gather3A_1461 : memref<128x3xf32, #tpu.memory_space<vmem>>[vector<16xi32>, vector<16xi32>], vector<16xf32>,
    %broadcast_in_dim3A_1467 = arith.constant 2 : i32
    %broadcast_in_dim3A_1468 = vector.broadcast %broadcast_in_dim3A_1467 : i32 to vector<16xi32>
    %add3A_1469 = arith.constant 2 : i32
    %add3A_1470 = vector.broadcast %add3A_1469 : i32 to vector<16xi32>
    %add3A_1471 = arith.addi %mul3A_1441, %add3A_1470 : vector<16xi32>
    %gather3A_1472 = tpu.vector_load_idx %arg6[%add3A_1471] : memref<3072xf32, #tpu.memory_space<vmem>>[vector<16xi32>], vector<16xf32>,
    %scatter3A_1473 = arith.constant 1 : i32
    %scatter3A_1474 = arith.constant 0 : i32
    %scatter3A_1475 = arith.constant 0 : i32
    %scatter3A_1476 = tpu.memref_slice %arg8[%scatter3A_1473, %scatter3A_1474, %scatter3A_1475] : memref<2x128x3xf32, #tpu.memory_space<vmem>> -> memref<1x128x3xf32, #tpu.memory_space<vmem>>
    %scatter3A_1477 = tpu.memref_squeeze %scatter3A_1476 : memref<1x128x3xf32, #tpu.memory_space<vmem>> -> memref<128x3xf32, #tpu.memory_space<vmem>>
    tpu.vector_store_idx %scatter3A_1477[%add3A_1444, %broadcast_in_dim3A_1468], %gather3A_1472 : memref<128x3xf32, #tpu.memory_space<vmem>>[vector<16xi32>, vector<16xi32>], vector<16xf32>,
    %get3A_1478 = arith.constant 496 : index
    %get3A_1479 = tpu.vector_load %arg7[%get3A_1478] {strides = array<i32>} : memref<512xi32, #tpu.memory_space<vmem>>, vector<16xi32>,
    %mul3A_1480 = arith.constant 3 : i32
    %mul3A_1481 = vector.broadcast %mul3A_1480 : i32 to vector<16xi32>
    %mul3A_1482 = arith.muli %get3A_1479, %mul3A_1481 : vector<16xi32>
    %add3A_1483 = arith.constant 112 : i32
    %add3A_1484 = vector.broadcast %add3A_1483 : i32 to vector<16xi32>
    %add3A_1485 = arith.addi %iota3A, %add3A_1484 : vector<16xi32>
    %broadcast_in_dim3A_1486 = arith.constant 0 : i32
    %broadcast_in_dim3A_1487 = vector.broadcast %broadcast_in_dim3A_1486 : i32 to vector<16xi32>
    %add3A_1488 = arith.constant 0 : i32
    %add3A_1489 = vector.broadcast %add3A_1488 : i32 to vector<16xi32>
    %add3A_1490 = arith.addi %mul3A_1482, %add3A_1489 : vector<16xi32>
    %gather3A_1491 = tpu.vector_load_idx %arg6[%add3A_1490] : memref<3072xf32, #tpu.memory_space<vmem>>[vector<16xi32>], vector<16xf32>,
    %scatter3A_1492 = arith.constant 1 : i32
    %scatter3A_1493 = arith.constant 0 : i32
    %scatter3A_1494 = arith.constant 0 : i32
    %scatter3A_1495 = tpu.memref_slice %arg8[%scatter3A_1492, %scatter3A_1493, %scatter3A_1494] : memref<2x128x3xf32, #tpu.memory_space<vmem>> -> memref<1x128x3xf32, #tpu.memory_space<vmem>>
    %scatter3A_1496 = tpu.memref_squeeze %scatter3A_1495 : memref<1x128x3xf32, #tpu.memory_space<vmem>> -> memref<128x3xf32, #tpu.memory_space<vmem>>
    tpu.vector_store_idx %scatter3A_1496[%add3A_1485, %broadcast_in_dim3A_1487], %gather3A_1491 : memref<128x3xf32, #tpu.memory_space<vmem>>[vector<16xi32>, vector<16xi32>], vector<16xf32>,
    %broadcast_in_dim3A_1497 = arith.constant 1 : i32
    %broadcast_in_dim3A_1498 = vector.broadcast %broadcast_in_dim3A_1497 : i32 to vector<16xi32>
    %add3A_1499 = arith.constant 1 : i32
    %add3A_1500 = vector.broadcast %add3A_1499 : i32 to vector<16xi32>
    %add3A_1501 = arith.addi %mul3A_1482, %add3A_1500 : vector<16xi32>
    %gather3A_1502 = tpu.vector_load_idx %arg6[%add3A_1501] : memref<3072xf32, #tpu.memory_space<vmem>>[vector<16xi32>], vector<16xf32>,
    %scatter3A_1503 = arith.constant 1 : i32
    %scatter3A_1504 = arith.constant 0 : i32
    %scatter3A_1505 = arith.constant 0 : i32
    %scatter3A_1506 = tpu.memref_slice %arg8[%scatter3A_1503, %scatter3A_1504, %scatter3A_1505] : memref<2x128x3xf32, #tpu.memory_space<vmem>> -> memref<1x128x3xf32, #tpu.memory_space<vmem>>
    %scatter3A_1507 = tpu.memref_squeeze %scatter3A_1506 : memref<1x128x3xf32, #tpu.memory_space<vmem>> -> memref<128x3xf32, #tpu.memory_space<vmem>>
    tpu.vector_store_idx %scatter3A_1507[%add3A_1485, %broadcast_in_dim3A_1498], %gather3A_1502 : memref<128x3xf32, #tpu.memory_space<vmem>>[vector<16xi32>, vector<16xi32>], vector<16xf32>,
    %broadcast_in_dim3A_1508 = arith.constant 2 : i32
    %broadcast_in_dim3A_1509 = vector.broadcast %broadcast_in_dim3A_1508 : i32 to vector<16xi32>
    %add3A_1510 = arith.constant 2 : i32
    %add3A_1511 = vector.broadcast %add3A_1510 : i32 to vector<16xi32>
    %add3A_1512 = arith.addi %mul3A_1482, %add3A_1511 : vector<16xi32>
    %gather3A_1513 = tpu.vector_load_idx %arg6[%add3A_1512] : memref<3072xf32, #tpu.memory_space<vmem>>[vector<16xi32>], vector<16xf32>,
    %scatter3A_1514 = arith.constant 1 : i32
    %scatter3A_1515 = arith.constant 0 : i32
    %scatter3A_1516 = arith.constant 0 : i32
    %scatter3A_1517 = tpu.memref_slice %arg8[%scatter3A_1514, %scatter3A_1515, %scatter3A_1516] : memref<2x128x3xf32, #tpu.memory_space<vmem>> -> memref<1x128x3xf32, #tpu.memory_space<vmem>>
    %scatter3A_1518 = tpu.memref_squeeze %scatter3A_1517 : memref<1x128x3xf32, #tpu.memory_space<vmem>> -> memref<128x3xf32, #tpu.memory_space<vmem>>
    tpu.vector_store_idx %scatter3A_1518[%add3A_1485, %broadcast_in_dim3A_1509], %gather3A_1513 : memref<128x3xf32, #tpu.memory_space<vmem>>[vector<16xi32>, vector<16xi32>], vector<16xf32>,
    %add3A_1519 = arith.constant 384 : i32
    %add3A_1520 = arith.addi %mul3A_2, %add3A_1519 : i32
    %dma_start3A_1521 = arith.constant 1 : i32
    %dma_start3A_1522 = arith.constant 1 : i32
    %dma_start3A_1523 = arith.constant 0 : i32
    %dma_start3A_1524 = arith.constant 0 : i32
    %dma_start3A_1525 = tpu.memref_slice %arg8[%dma_start3A_1521, %dma_start3A_1523, %dma_start3A_1524] : memref<2x128x3xf32, #tpu.memory_space<vmem>> -> memref<1x128x3xf32, #tpu.memory_space<vmem>>
    %dma_start3A_1526 = tpu.memref_squeeze %dma_start3A_1525 : memref<1x128x3xf32, #tpu.memory_space<vmem>> -> memref<128x3xf32, #tpu.memory_space<vmem>>
    %dma_start3A_1527 = arith.constant 0 : i32
    %dma_start3A_1528 = tpu.memref_slice %arg4[%add3A_1520, %dma_start3A_1527] : memref<16384x3xf32, #tpu.memory_space<hbm>> -> memref<128x3xf32, #tpu.memory_space<hbm>>
    %dma_start3A_1529 = tpu.memref_slice %arg11[%dma_start3A_1522] : memref<2x!tpu.dma_semaphore, #tpu.memory_space<semaphore_mem>> -> memref<1x!tpu.dma_semaphore, #tpu.memory_space<semaphore_mem>>
    %dma_start3A_1530 = tpu.memref_squeeze %dma_start3A_1529 : memref<1x!tpu.dma_semaphore, #tpu.memory_space<semaphore_mem>> -> memref<!tpu.dma_semaphore, #tpu.memory_space<semaphore_mem>>
    %dma_start3A_1531 = arith.constant 0 : i32
    %dma_start3A_1532 = tpu.memref_slice %arg4[%add3A_1520, %dma_start3A_1531] : memref<16384x3xf32, #tpu.memory_space<hbm>> -> memref<128x3xf32, #tpu.memory_space<hbm>>
    %dma_start3A_1533 = arith.constant 0 : i32
    %dma_start3A_1534 = arith.constant 0 : i32
    %dma_start3A_1535 = tpu.memref_slice %arg8[%dma_start3A_1521, %dma_start3A_1533, %dma_start3A_1534] : memref<2x128x3xf32, #tpu.memory_space<vmem>> -> memref<1x128x3xf32, #tpu.memory_space<vmem>>
    %dma_start3A_1536 = tpu.memref_squeeze %dma_start3A_1535 : memref<1x128x3xf32, #tpu.memory_space<vmem>> -> memref<128x3xf32, #tpu.memory_space<vmem>>
    tpu.enqueue_dma source(%dma_start3A_1536 : memref<128x3xf32, #tpu.memory_space<vmem>>) target(%dma_start3A_1532 : memref<128x3xf32, #tpu.memory_space<hbm>>) target_semaphore(%dma_start3A_1530 : memref<!tpu.dma_semaphore, #tpu.memory_space<semaphore_mem>>)
    %dma_wait3A_1537 = arith.constant 0 : i32
    %dma_wait3A_1538 = arith.constant 0 : i32
    %dma_wait3A_1539 = arith.constant 0 : i32
    %dma_wait3A_1540 = arith.constant 0 : i32
    %dma_wait3A_1541 = tpu.memref_slice %arg8[%dma_wait3A_1537, %dma_wait3A_1539, %dma_wait3A_1540] : memref<2x128x3xf32, #tpu.memory_space<vmem>> -> memref<1x128x3xf32, #tpu.memory_space<vmem>>
    %dma_wait3A_1542 = tpu.memref_squeeze %dma_wait3A_1541 : memref<1x128x3xf32, #tpu.memory_space<vmem>> -> memref<128x3xf32, #tpu.memory_space<vmem>>
    %dma_wait3A_1543 = arith.constant 0 : i32
    %dma_wait3A_1544 = tpu.memref_slice %arg4[%add3A_1158, %dma_wait3A_1543] : memref<16384x3xf32, #tpu.memory_space<hbm>> -> memref<128x3xf32, #tpu.memory_space<hbm>>
    %dma_wait3A_1545 = tpu.memref_slice %arg11[%dma_wait3A_1538] : memref<2x!tpu.dma_semaphore, #tpu.memory_space<semaphore_mem>> -> memref<1x!tpu.dma_semaphore, #tpu.memory_space<semaphore_mem>>
    %dma_wait3A_1546 = tpu.memref_squeeze %dma_wait3A_1545 : memref<1x!tpu.dma_semaphore, #tpu.memory_space<semaphore_mem>> -> memref<!tpu.dma_semaphore, #tpu.memory_space<semaphore_mem>>
    %dma_wait3A_1547 = arith.constant 0 : i32
    %dma_wait3A_1548 = tpu.memref_slice %arg4[%add3A_1158, %dma_wait3A_1547] : memref<16384x3xf32, #tpu.memory_space<hbm>> -> memref<128x3xf32, #tpu.memory_space<hbm>>
    %dma_wait3A_1549 = arith.constant 0 : i32
    %dma_wait3A_1550 = arith.constant 0 : i32
    %dma_wait3A_1551 = tpu.memref_slice %arg8[%dma_wait3A_1537, %dma_wait3A_1549, %dma_wait3A_1550] : memref<2x128x3xf32, #tpu.memory_space<vmem>> -> memref<1x128x3xf32, #tpu.memory_space<vmem>>
    %dma_wait3A_1552 = tpu.memref_squeeze %dma_wait3A_1551 : memref<1x128x3xf32, #tpu.memory_space<vmem>> -> memref<128x3xf32, #tpu.memory_space<vmem>>
    tpu.wait_dma2 semaphore(%dma_wait3A_1546 : memref<!tpu.dma_semaphore, #tpu.memory_space<semaphore_mem>>) src(%dma_wait3A_1552 : memref<128x3xf32, #tpu.memory_space<vmem>>) dst(%dma_wait3A_1548 : memref<128x3xf32, #tpu.memory_space<hbm>>)
    %dma_wait3A_1553 = arith.constant 1 : i32
    %dma_wait3A_1554 = arith.constant 1 : i32
    %dma_wait3A_1555 = arith.constant 0 : i32
    %dma_wait3A_1556 = arith.constant 0 : i32
    %dma_wait3A_1557 = tpu.memref_slice %arg8[%dma_wait3A_1553, %dma_wait3A_1555, %dma_wait3A_1556] : memref<2x128x3xf32, #tpu.memory_space<vmem>> -> memref<1x128x3xf32, #tpu.memory_space<vmem>>
    %dma_wait3A_1558 = tpu.memref_squeeze %dma_wait3A_1557 : memref<1x128x3xf32, #tpu.memory_space<vmem>> -> memref<128x3xf32, #tpu.memory_space<vmem>>
    %dma_wait3A_1559 = arith.constant 0 : i32
    %dma_wait3A_1560 = tpu.memref_slice %arg4[%add3A_1520, %dma_wait3A_1559] : memref<16384x3xf32, #tpu.memory_space<hbm>> -> memref<128x3xf32, #tpu.memory_space<hbm>>
    %dma_wait3A_1561 = tpu.memref_slice %arg11[%dma_wait3A_1554] : memref<2x!tpu.dma_semaphore, #tpu.memory_space<semaphore_mem>> -> memref<1x!tpu.dma_semaphore, #tpu.memory_space<semaphore_mem>>
    %dma_wait3A_1562 = tpu.memref_squeeze %dma_wait3A_1561 : memref<1x!tpu.dma_semaphore, #tpu.memory_space<semaphore_mem>> -> memref<!tpu.dma_semaphore, #tpu.memory_space<semaphore_mem>>
    %dma_wait3A_1563 = arith.constant 0 : i32
    %dma_wait3A_1564 = tpu.memref_slice %arg4[%add3A_1520, %dma_wait3A_1563] : memref<16384x3xf32, #tpu.memory_space<hbm>> -> memref<128x3xf32, #tpu.memory_space<hbm>>
    %dma_wait3A_1565 = arith.constant 0 : i32
    %dma_wait3A_1566 = arith.constant 0 : i32
    %dma_wait3A_1567 = tpu.memref_slice %arg8[%dma_wait3A_1553, %dma_wait3A_1565, %dma_wait3A_1566] : memref<2x128x3xf32, #tpu.memory_space<vmem>> -> memref<1x128x3xf32, #tpu.memory_space<vmem>>
    %dma_wait3A_1568 = tpu.memref_squeeze %dma_wait3A_1567 : memref<1x128x3xf32, #tpu.memory_space<vmem>> -> memref<128x3xf32, #tpu.memory_space<vmem>>
    tpu.wait_dma2 semaphore(%dma_wait3A_1562 : memref<!tpu.dma_semaphore, #tpu.memory_space<semaphore_mem>>) src(%dma_wait3A_1568 : memref<128x3xf32, #tpu.memory_space<vmem>>) dst(%dma_wait3A_1564 : memref<128x3xf32, #tpu.memory_space<hbm>>)
    return
  }
}

</mosaic_0001>

<sc_bundles>
// kernel: kernel.3.cloned.1.call-start
scs
__scs_entry_jumppad:
0x0: {  	(pc) =	sbr.rel $0x88, $3  }
0x1: {  	(tag) =	ssettag $0x0;
	lr =	simm.s32 $0x1  }
0x2: {  	[smem:$0x3F9F] =	sst lr;
	_ =	strace $0xD0000000  }
0x3: {  	_ = 	snop  }
0x4: {  	_ = 	snop  }
0x5: {  	_ = 	snop  }
0x6: {  	_ = 	snop  }
0x7: {  	_ = 	snop  }
__scs_overlays_trampoline_lowered:
0x8: {  	[smem:$0x3FAE] =	sst s0  }
0x9: {  	[smem:$0x3FAF] =	sst s1  }
0xa: {  	[smem:$0x3FB0] =	sst s2  }
0xb: {  	[smem:$0x3FB1] =	sst s3  }
0xc: {  	[smem:$0x3FB2] =	sst s4  }
0xd: {  	[smem:$0x3FB3] =	sst s5  }
0xe: {  	[smem:$0x3FB4] =	sst s6  }
0xf: {  	[smem:$0x3FB5] =	sst s7  }
0x10: {  	[smem:$0x3FB6] =	sst s8  }
0x11: {  	[smem:$0x3FB7] =	sst s9;
	s0 =	simm.s32 @!p0 $0x0  }
0x12: {  	s1 =	sld [smem:$0x3F9D];
	s0 =	simm.s32 @p0 $0x1  }
0x13: {  	[smem:$0x3FB8] =	sst s0;
	s0 =	simm.s32 @!p1 $0x0  }
0x14: {  	s2 =	sld [smem:$0x3F9C];
	s0 =	simm.s32 @p1 $0x1  }
0x15: {  	[smem:$0x3FB9] =	sst s0;
	s0 =	simm.s32 @!p2 $0x0  }
0x16: {  	s3 =	sld [smem:$0x3FDB];
	s0 =	simm.s32 @p2 $0x1  }
0x17: {  	s4 =	simm.s32 $0x1BF5;
	[smem:$0x3FBB] =	sst s0  }
0x18: {  	s0 =	sld [smem:$0x3F9E];
	_ =	swait.ge [sflag:s4], $0x0  }
0x19: {  	s7 =	sld [smem:$0x3F9F]  }
0x1a: {  	s8 =	sadd.s32 $0xFFFFE003, lr  }
0x1b: {  	s9 =	sadd.s32 $0xFFFFFEF7, lr;
	s5 =	simm.s32 $0xFFFFFFFF;
	p2 =	slt.u32 s8, $0xFFFFF086  }
0x1c: {  	p1 =	slt.u32 s9, $0xF7A;
	s5 =	simm.s32 @!p2 $0x0  }
0x1d: {  	s5 =	simm.s32 @p1 $0x1;
	p0 =	seq.s32 s7, s2  }
0x1e: {  	s7 =	smul.u32 @!p0 $0xF7A, s2;
	p2 =	seq.s32 @!p0 s5, $0x0  }
0x1f: {  	s9 =	smul.u32 $0xF7A, s1;
	s8 =	simm.s32 @!p0 $0x1BF5;
	p2 =	por !p2, p0  }
0x20: {  	[sflag:s8] =	ssyncset.s32 @!p0 $0xFFFFF086;
	s6 =	sadd.s32 @!p0 s3, s7;
	s7 =	simm.s32 @!p0 $0x108  }
0x21: {  	s3 =	sadd.s32 s3, s9;
	s6 =	sadd.s32 @!p0 $0x88, s6;
	s7 =	simm.s32 @p2 $0x1082  }
0x22: {  	[simem:s7], [sflag:s8] =	dma.local @!p0 [hbm:s6], $0xF7A  }
0x23: {  	s9 =	sor.u32 $0xD0000000, s2;
	s6 =	simm.s32 $0x108;
	_ =	swait.ge @!p0 [sflag:s8], $0x0  }
0x24: {  	s3 =	sadd.s32 $0x88, s3;
	s6 =	simm.s32 @!p1 $0x1082;
	[sflag:s4] =	ssyncset.s32 $0xFFFFF086  }
0x25: {  	[simem:s6], [sflag:s4] =	dma.local [hbm:s3], $0xF7A  }
0x26: {  	[smem:$0x3F9F] =	sst s1;
	(tag) =	ssettag s2;
	_ =	strace s9  }
0x27: {  	s1 =	sld [smem:$0x3FAF]  }
0x28: {  	s2 =	sld [smem:$0x3FB0]  }
0x29: {  	s4 =	sld [smem:$0x3FB2]  }
0x2a: {  	p0 =	seq.s32 s5, $0x0;
	s5 =	sld [smem:$0x3FB3]  }
0x2b: {  	s6 =	sld [smem:$0x3FB4]  }
0x2c: {  	s7 =	sld [smem:$0x3FB5]  }
0x2d: {  	s3 =	simm.s32 $0x108;
	s8 =	sld [smem:$0x3FB6]  }
0x2e: {  	s3 =	simm.s32 @!p0 $0x1082;
	s9 =	sld [smem:$0x3FB7]  }
0x2f: {  	lr =	sadd.s32 s0, s3;
	s0 =	sld [smem:$0x3FAE]  }
0x30: {  	s3 =	sld [smem:$0x3FB1]  }
0x31: {  	[smem:$0x3FBA] =	sst s10  }
0x32: {  	s10 =	sld [smem:$0x3FB8];
	_ =	sdelay $0x3  }
0x33: {  	p0 =	seq.s32 s10, $0x1;
	s10 =	sld [smem:$0x3FBA];
	_ =	sdelay $0x3  }
0x34: {  	[smem:$0x3FBA] =	sst s10  }
0x35: {  	s10 =	sld [smem:$0x3FB9];
	_ =	sdelay $0x3  }
0x36: {  	p1 =	seq.s32 s10, $0x1;
	s10 =	sld [smem:$0x3FBA];
	_ =	sdelay $0x3  }
0x37: {  	[smem:$0x3FBA] =	sst s10  }
0x38: {  	s10 =	sld [smem:$0x3FBB]  }
0x39: {  	_ = 	snop;
	(pc) =	sbr.ind lr, $3  }
0x3a: {  	_ = 	snop  }
0x3b: {  	_ = 	snop  }
0x3c: {  	p2 =	seq.s32 s10, $0x1;
	s10 =	sld [smem:$0x3FBA]  }
0x3d: {  	_ =	shalt  }
0x3e: {  	_ =	shalt  }
0x3f: {  	_ =	shalt  }
0x40: {  	_ =	shalt  }
0x41: {  	_ =	shalt  }
0x42: {  	_ =	shalt  }
0x43: {  	_ =	shalt  }
0x44: {  	_ =	shalt  }
0x45: {  	_ =	shalt  }
0x46: {  	_ =	shalt  }
0x47: {  	_ =	shalt  }
0x48: {  	_ =	shalt  }
0x49: {  	_ =	shalt  }
0x4a: {  	_ =	shalt  }
0x4b: {  	_ =	shalt  }
0x4c: {  	_ =	shalt  }
0x4d: {  	_ =	shalt  }
0x4e: {  	_ =	shalt  }
0x4f: {  	_ =	shalt  }
0x50: {  	_ =	shalt  }
0x51: {  	_ =	shalt  }
0x52: {  	_ =	shalt  }
0x53: {  	_ =	shalt  }
0x54: {  	_ =	shalt  }
0x55: {  	_ =	shalt  }
0x56: {  	_ =	shalt  }
0x57: {  	_ =	shalt  }
0x58: {  	_ =	shalt  }
0x59: {  	_ =	shalt  }
0x5a: {  	_ =	shalt  }
0x5b: {  	_ =	shalt  }
0x5c: {  	_ =	shalt  }
0x5d: {  	_ =	shalt  }
0x5e: {  	_ =	shalt  }
0x5f: {  	_ =	shalt  }
0x60: {  	_ =	shalt  }
0x61: {  	_ =	shalt  }
0x62: {  	_ =	shalt  }
0x63: {  	_ =	shalt  }
0x64: {  	_ =	shalt  }
0x65: {  	_ =	shalt  }
0x66: {  	_ =	shalt  }
0x67: {  	_ =	shalt  }
0x68: {  	_ =	shalt  }
0x69: {  	_ =	shalt  }
0x6a: {  	_ =	shalt  }
0x6b: {  	_ =	shalt  }
0x6c: {  	_ =	shalt  }
0x6d: {  	_ =	shalt  }
0x6e: {  	_ =	shalt  }
0x6f: {  	_ =	shalt  }
0x70: {  	_ =	shalt  }
0x71: {  	_ =	shalt  }
0x72: {  	_ =	shalt  }
0x73: {  	_ =	shalt  }
0x74: {  	_ =	shalt  }
0x75: {  	_ =	shalt  }
0x76: {  	_ =	shalt  }
0x77: {  	_ =	shalt  }
0x78: {  	_ =	shalt  }
0x79: {  	_ =	shalt  }
0x7a: {  	_ =	shalt  }
0x7b: {  	_ =	shalt  }
0x7c: {  	_ =	shalt  }
0x7d: {  	_ =	shalt  }
0x7e: {  	_ =	shalt  }
0x7f: {  	_ =	shalt  }
0x80: {  	_ =	shalt  }
0x81: {  	_ =	shalt  }
0x82: {  	_ =	shalt  }
0x83: {  	_ =	shalt  }
0x84: {  	_ =	shalt  }
0x85: {  	_ =	shalt  }
0x86: {  	_ =	shalt  }
0x87: {  	_ =	shalt  }
.Lfunc_end0:
.L_simem_size_0:
called_computation_lowered:
.L_overlay_start_0:
0x88: {  	s2 =	sld [smem:$0x3FD9]  }
0x89: {  	s3 =	sld [smem:$0x3FFE];
	_ =	sdelay $0x1  }
0x8a: {  	s1 =	srdreg.scid  }
0x8b: {  	s0 =	sand.u32 $0x1, s1  }
0x8c: {  	s17 =	sshll.u32 s0, $0xA;
	s2 =	sadd.s32 s3, s2  }
0x8d: {  	s2 =	sadd.s32 s2, s17  }
0x8e: {  	[smem:$0x3FC6] =	sst s2  }
0x8f: {  	_ = 	snop  }
0x90: {  	s2 =	sld [smem:$0x3FC8];
	(tm) =	ssettm $0x1  }
0x91: {  	s18 =	sld [smem:$0x3FFB];
	_ =	sdelay $0x3  }
0x92: {  	_ =	strace s18  }
0x93: {  	s3 =	sld [smem:$0x3FFC];
	_ =	sdelay $0x3  }
0x94: {  	_ =	strace s3  }
0x95: {  	s3 =	sld [smem:$0x3FFD];
	_ =	sdelay $0x3  }
0x96: {  	_ =	strace s3  }
0x97: {  	_ =	strace $0x8FFFFFFF  }
0x98: {  	s19 =	sld [smem:$0x3FDB];
	_ =	sdelay $0x1  }
0x99: {  	s4 =	simm.s32 $_scs_section_size  }
0x9a: {  	s5 =	simm.s32 $_size__tile_overlayer_lowered;
	s6 =	simm.s32 $_tile_overlayer_lowered  }
0x9b: {  	s22 =	simm.s32 $0x1BFF;
	s21 =	sshll.u32 s6, $0x1;
	s3 =	sadd.s32 s4, s19  }
0x9c: {  	s7 =	simm.s32 $0x0;
	s20 =	sshll.u32 s5, $0x1;
	s5 =	sadd.s32 s21, s3  }
0x9d: {  	[timem:s7], [sflag:s22] =	dma.local [hbm:s5], s20  }
0x9e: {  	_ =	swait.ge [sflag:s22], s20  }
0x9f: {  	s4 =	ssub.s32 $0x0, s20;
	[sflag:s22] =	ssyncset.done $0x0  }
0xa0: {  	[sflag:s22] =	ssyncadd.s32 s4;
	_ =	sdelay $0x1  }
0xa1: {  	s23 =	simm.s32 $0x1B8B  }
0xa2: {  	_ =	swait.ge [sflag:s23], $0x1  }
0xa3: {  	[sflag:s23] =	ssyncset.done $0x0  }
0xa4: {  	s25 =	simm.s32 $0x1B8E;
	s24 =	sld [smem:$0x3FFE];
	[sflag:s23] =	ssyncadd.s32 $0xFFFFFFFF  }
0xa5: {  	s26 =	simm.s32 $execute0_lowered;
	[smem:$0x3FD2] =	sst s25  }
0xa6: {  	s5 =	sshll.u32 s26, $0x1;
	_ =	strace $0x80000046;
	[dreg:$0x1] =	wrdreg $0xFFFFFFFF  }
0xa7: {  	s28 =	simm.s32 $_size_execute0_lowered;
	s3 =	sadd.s32 s3, s5;
	[dreg:$0x0] =	wrdreg $0x0  }
0xa8: {  	s5 =	sshll.u32 s28, $0x1;
	[dreg:$0x2] =	wrdreg s3  }
0xa9: {  	[dreg:$0x3] =	wrdreg s5  }
0xaa: {  	[dreg:$0x4] =	wrdreg $0xC0  }
0xab: {  	_ =	task [dreg:s7], $0x5FFFF  }
0xac: {  	[dreg:$0x1] =	wrdreg $0xFFFFFFFF  }
0xad: {  	[dreg:$0x0] =	wrdreg $0x60  }
0xae: {  	[dreg:$0x2] =	wrdreg s24  }
0xaf: {  	[dreg:$0x3] =	wrdreg s2  }
0xb0: {  	[dreg:$0x4] =	wrdreg $0xAE000  }
0xb1: {  	[dreg:$0x5] =	wrdreg $0x9  }
0xb2: {  	_ =	task.clear_ibuf [dreg:s7], $0x6FFFF;
	_ =	strace $0x90000046  }
0xb3: {  	s29 =	simm.s32 $0x9;
	_ =	strace $0x80000048  }
0xb4: {  	_ =	swait.ge [sflag:s29], $0x1  }
0xb5: {  	[sflag:s29] =	ssyncadd.s32 $0xFFFFFFFF  }
0xb6: {  	_ =	strace $0x90000048  }
0xb7: {  	_ =	sfence  }
0xb8: {  	s30 =	sld [smem:$0x0];
	_ =	sdelay $0x2  }
0xb9: {  	s31 =	sshll.u32 s1, $0xD;
	s1 =	sshrl.u32 s1, $0x2  }
0xba: {  	s3 =	sand.u32 $0x4000, s31;
	s1 =	sadd.s32 s1, s30  }
0xbb: {  	s0 =	sor.u32 s3, s0;
	s1 =	sshll.u32 s1, $0x11  }
0xbc: {  	s0 =	sor.u32 s1, s0  }
0xbd: {  	s0 =	sadd.s32 $0x8F2B, s0  }
0xbe: {  	[sflag:s0] =	ssyncadd.remote.s32 $0x1  }
0xbf: {  	_ =	sfence.sel $0xFFFF  }
0xc0: {  	[dreg:$0x0] =	wrdreg $0xFFFFFFFF;
	(pc) =	sbr.abs _section_cstart, $3  }
0xc1: {  	[dreg:$0x1] =	wrdreg $0xFFFFFFFF  }
0xc2: {  	_ =	task.clear_ibuf [dreg:s7], $0x2FFFF;
	_ =	strace $0x9FFFFFFF  }
0xc3: {  	(tm) =	ssettm $0x7FFFFFFF  }
tec
execute0_lowered:
.L_overlay_start_1:
0x0: {  	(tag) =	ssettag $0x1  }
0x1: {  	v9 =	vlaneseq.u32  }
0x2: {  	s0 =	stileid.u32;
	v12 =	vmul.u32 $0x3, v9  }
0x3: {  	s7 =	smul.u32 $0xC0, s0  }
0x4: {  	v9 =	vmul.u32 $0x80, v9;
	v1 =	vadd.s32 $0x1, v12  }
0x5: {  	v2 =	vadd.s32 $0x2, v12;
	v0 =	vor.u32 s7, v12;
	v3 =	vadd.s32 $0x30, v12  }
0x6: {  	s4 =	rddreg [dreg:$0x0];
	v4 =	vadd.s32 $0x31, v12;
	v5 =	vadd.s32 $0x32, v12;
	v6 =	vadd.s32 $0x60, v12  }
0x7: {  	s5 =	rddreg [dreg:$0x1];
	v7 =	vadd.s32 $0x61, v12;
	v8 =	vadd.s32 $0x62, v12;
	v10 =	vadd.s32 $0x90, v12  }
0x8: {  	s2 =	rddreg [dreg:$0x2];
	v11 =	vadd.s32 $0x91, v12;
	v12 =	vadd.s32 $0x92, v12;
	v13 =	vor.u32 $0x1, v9  }
0x9: {  	s6 =	srdreg.scid;
	s1 =	rddreg [dreg:$0x3];
	s3 =	simm.s32 $0x0;
	v14 =	vor.u32 $0x2, v9;
	v15 =	vor.u32 $0x800, v9;
	v16 =	vor.u32 $0x801, v9  }
0xa: {  	s13 =	simm.s32 $0x2C00;
	s14 =	simm.s32 $0x4;
	s15 =	simm.s32 $0x2000;
	v17 =	vor.u32 $0x802, v9;
	v18 =	vor.u32 $0x1000, v9;
	v19 =	vor.u32 $0x1001, v9  }
0xb: {  	s16 =	simm.s32 $0x1;
	s17 =	simm.s32 $0x2E00;
	s18 =	simm.s32 $0x6E00;
	v20 =	vor.u32 $0x1002, v9;
	v21 =	vor.u32 $0x1800, v9;
	v22 =	vor.u32 $0x1801, v9  }
0xc: {  	s19 =	simm.s32 $0x2;
	s20 =	simm.s32 $0x3;
	s6 =	sand.u32 $0x1, s6;
	v23 =	vor.u32 $0x1802, v9;
	v24 =	vor.u32 $0x2000, v9;
	v25 =	vor.u32 $0x2001, v9  }
0xd: {  	[smem:$0x7FF] =	sst s3;
	s8 =	sshll.u32 s0, $0xA;
	s9 =	sshll.u32 s6, $0x9;
	v26 =	vor.u32 $0x2002, v9;
	v27 =	vor.u32 $0x2800, v9;
	v28 =	vor.u32 $0x2801, v9  }
0xe: {  	_ =	strace $0x80000047;
	s6 =	ssub.s32 $0x2, s6;
	s9 =	sor.u32 s9, s8;
	v29 =	vor.u32 $0x2802, v9;
	v1 =	vor.u32 s7, v1;
	v2 =	vor.u32 s7, v2  }
0xf: {  	s8 =	sadd.s32 s8, s4;
	s31 =	sshrl.u32 s6, $0x1;
	v3 =	vadd.s32 s7, v3;
	v4 =	vadd.s32 s7, v4;
	v5 =	vadd.s32 s7, v5;
	s10 =	sshll.u32 s9, $0x4  }
0x10: {  	v6 =	vadd.s32 s7, v6;
	v7 =	vadd.s32 s7, v7;
	v8 =	vadd.s32 s7, v8;
	s9 =	sshrl.u32 s9, $0x3;
	s12 =	ssub.s32 s6, s31;
	s6 =	sadd.s32 s7, s2  }
0x11: {  	v10 =	vadd.s32 s7, v10;
	v11 =	vadd.s32 s7, v11;
	v12 =	vadd.s32 s7, v12;
	s7 =	sor.u32 $0x2000, s7;
	s11 =	sadd.s32 s10, s4;
	s4 =	sadd.s32 s5, s9  }
0x12: {  	v30 =	vor.u32 $0x3000, v9;
	v31 =	vor.u32 $0x3001, v9;
	v32 =	vor.u32 $0x3002, v9;
	s5 =	sadd.s32 $0x400, s8;
	s12 =	smax.u32 s12, $0x1;
	s8 =	sadd.s32 $0x4400, s11  }
0x13: {  	v33 =	vor.u32 $0x3800, v9;
	v34 =	vor.u32 $0x3801, v9;
	v35 =	vor.u32 $0x3802, v9;
	s9 =	sadd.s32 $0x4C00, s11;
	s10 =	sadd.s32 $0x5400, s11;
	s11 =	sadd.s32 $0x5C00, s11  }
.LBB2_1:
0x14: {  	[tilespmem:s13], [sflag:$0x1] =	stream.linear.gather [hbm4b:s4+s3], $0x200, $0x38;
	[tilespmem:$0xAEC0] =	vst v63  }
0x15: {  	_ = 	snop  }
0x16: {  	[tilespmem:s3], [sflag:$0x4] =	stream.linear.gather [hbm4b:s5+s3], $0x2000, $0x38;
	[tilespmem:$0xAEC0] =	vst v63  }
0x17: {  	_ =	swait.ge [sflag:s14], $0x2000  }
0x18: {  	[sflag:s14] =	ssyncset.done $0x0  }
0x19: {  	[sflag:s14] =	ssyncadd.s32 $0xFFFFE000  }
0x1a: {  	v36 =	vld.idx.msk [tilespmem:v9+s3+$0x0], $0xffff;
	_ =	sdelay $0x4  }
0x1b: {  	[tilespmem:v0+s15+$0x0] =	vst.idx.msk $0xffff, v36  }
0x1c: {  	v36 =	vld.idx.msk [tilespmem:v13+s3+$0x0], $0xffff;
	_ =	sdelay $0x4  }
0x1d: {  	[tilespmem:v1+s15+$0x0] =	vst.idx.msk $0xffff, v36  }
0x1e: {  	v36 =	vld.idx.msk [tilespmem:v14+s3+$0x0], $0xffff;
	_ =	sdelay $0x4  }
0x1f: {  	[tilespmem:v2+s15+$0x0] =	vst.idx.msk $0xffff, v36  }
0x20: {  	v36 =	vld.idx.msk [tilespmem:v15+s3+$0x0], $0xffff;
	_ =	sdelay $0x4  }
0x21: {  	[tilespmem:v3+s15+$0x0] =	vst.idx.msk $0xffff, v36  }
0x22: {  	v36 =	vld.idx.msk [tilespmem:v16+s3+$0x0], $0xffff;
	_ =	sdelay $0x4  }
0x23: {  	[tilespmem:v4+s15+$0x0] =	vst.idx.msk $0xffff, v36  }
0x24: {  	v36 =	vld.idx.msk [tilespmem:v17+s3+$0x0], $0xffff;
	_ =	sdelay $0x4  }
0x25: {  	[tilespmem:v5+s15+$0x0] =	vst.idx.msk $0xffff, v36  }
0x26: {  	v36 =	vld.idx.msk [tilespmem:v18+s3+$0x0], $0xffff;
	_ =	sdelay $0x4  }
0x27: {  	[tilespmem:v6+s15+$0x0] =	vst.idx.msk $0xffff, v36  }
0x28: {  	v36 =	vld.idx.msk [tilespmem:v19+s3+$0x0], $0xffff;
	_ =	sdelay $0x4  }
0x29: {  	[tilespmem:v7+s15+$0x0] =	vst.idx.msk $0xffff, v36  }
0x2a: {  	v36 =	vld.idx.msk [tilespmem:v20+s3+$0x0], $0xffff;
	_ =	sdelay $0x4  }
0x2b: {  	[tilespmem:v8+s15+$0x0] =	vst.idx.msk $0xffff, v36  }
0x2c: {  	v36 =	vld.idx.msk [tilespmem:v21+s3+$0x0], $0xffff;
	_ =	sdelay $0x4  }
0x2d: {  	[tilespmem:v10+s15+$0x0] =	vst.idx.msk $0xffff, v36  }
0x2e: {  	v36 =	vld.idx.msk [tilespmem:v22+s3+$0x0], $0xffff;
	_ =	sdelay $0x4  }
0x2f: {  	[tilespmem:v11+s15+$0x0] =	vst.idx.msk $0xffff, v36  }
0x30: {  	v36 =	vld.idx.msk [tilespmem:v23+s3+$0x0], $0xffff;
	_ =	sdelay $0x4  }
0x31: {  	[tilespmem:v12+s15+$0x0] =	vst.idx.msk $0xffff, v36  }
0x32: {  	[spmem:s6] =	stream.linear.scatter [tilespmem:s7], [sflag:$0x4], $0xC0, $0x38;
	[tilespmem:$0xAEC0] =	vst v63  }
0x33: {  	_ =	swait.ge [sflag:s14], $0xC0  }
0x34: {  	[sflag:s14] =	ssyncset.done $0x0  }
0x35: {  	[sflag:s14] =	ssyncadd.s32 $0xFFFFFF40  }
0x36: {  	[bflag:$0x0] =	sbarrier.arrive $0xFFFF  }
0x37: {  	[tilespmem:s15], [sflag:$0x4] =	stream.linear.gather [spmem:s2], $0xC00, $0x38;
	[tilespmem:$0xAEC0] =	vst v63  }
0x38: {  	_ =	swait.ge [sflag:s14], $0xC00  }
0x39: {  	[sflag:s14] =	ssyncset.done $0x0  }
0x3a: {  	[sflag:s14] =	ssyncadd.s32 $0xFFFFF400  }
0x3b: {  	_ =	swait.ge [sflag:s16], $0x200  }
0x3c: {  	[sflag:s16] =	ssyncset.done $0x0  }
0x3d: {  	[sflag:s16] =	ssyncadd.s32 $0xFFFFFE00  }
0x3e: {  	v52 =	vld [tilespmem:$0x2C00];
	_ =	sdelay $0x4  }
0x3f: {  	v36 =	vmul.u32 $0x3, v52;
	_ =	sdelay $0x5  }
0x40: {  	v37 =	vld.idx.msk [tilespmem:v36+s15+$0x0], $0xffff  }
0x41: {  	v38 =	vadd.s32 $0x1, v36;
	_ =	sdelay $0x3  }
0x42: {  	[tilespmem:v9+s17+$0x0] =	vst.idx.msk $0xffff, v37  }
0x43: {  	v37 =	vld.idx.msk [tilespmem:v38+s15+$0x0], $0xffff  }
0x44: {  	v36 =	vadd.s32 $0x2, v36;
	_ =	sdelay $0x3  }
0x45: {  	[tilespmem:v13+s17+$0x0] =	vst.idx.msk $0xffff, v37  }
0x46: {  	v36 =	vld.idx.msk [tilespmem:v36+s15+$0x0], $0xffff;
	_ =	sdelay $0x4  }
0x47: {  	[tilespmem:v14+s17+$0x0] =	vst.idx.msk $0xffff, v36  }
0x48: {  	v36 =	vld [tilespmem:$0x2C10];
	_ =	sdelay $0x4  }
0x49: {  	v36 =	vmul.u32 $0x3, v36;
	_ =	sdelay $0x5  }
0x4a: {  	v37 =	vld.idx.msk [tilespmem:v36+s15+$0x0], $0xffff  }
0x4b: {  	v53 =	vadd.s32 $0x1, v36;
	_ =	sdelay $0x3  }
0x4c: {  	[tilespmem:v15+s17+$0x0] =	vst.idx.msk $0xffff, v37  }
0x4d: {  	v37 =	vld.idx.msk [tilespmem:v53+s15+$0x0], $0xffff  }
0x4e: {  	v36 =	vadd.s32 $0x2, v36;
	_ =	sdelay $0x3  }
0x4f: {  	[tilespmem:v16+s17+$0x0] =	vst.idx.msk $0xffff, v37  }
0x50: {  	v36 =	vld.idx.msk [tilespmem:v36+s15+$0x0], $0xffff;
	_ =	sdelay $0x4  }
0x51: {  	[tilespmem:v17+s17+$0x0] =	vst.idx.msk $0xffff, v36  }
0x52: {  	v36 =	vld [tilespmem:$0x2C20];
	_ =	sdelay $0x4  }
0x53: {  	v36 =	vmul.u32 $0x3, v36;
	_ =	sdelay $0x5  }
0x54: {  	v37 =	vld.idx.msk [tilespmem:v36+s15+$0x0], $0xffff  }
0x55: {  	v54 =	vadd.s32 $0x1, v36;
	_ =	sdelay $0x3  }
0x56: {  	[tilespmem:v18+s17+$0x0] =	vst.idx.msk $0xffff, v37  }
0x57: {  	v37 =	vld.idx.msk [tilespmem:v54+s15+$0x0], $0xffff  }
0x58: {  	v36 =	vadd.s32 $0x2, v36;
	_ =	sdelay $0x3  }
0x59: {  	[tilespmem:v19+s17+$0x0] =	vst.idx.msk $0xffff, v37  }
0x5a: {  	v36 =	vld.idx.msk [tilespmem:v36+s15+$0x0], $0xffff;
	_ =	sdelay $0x4  }
0x5b: {  	[tilespmem:v20+s17+$0x0] =	vst.idx.msk $0xffff, v36  }
0x5c: {  	v36 =	vld [tilespmem:$0x2C30];
	_ =	sdelay $0x4  }
0x5d: {  	v36 =	vmul.u32 $0x3, v36;
	_ =	sdelay $0x5  }
0x5e: {  	v37 =	vld.idx.msk [tilespmem:v36+s15+$0x0], $0xffff  }
0x5f: {  	v55 =	vadd.s32 $0x1, v36;
	_ =	sdelay $0x3  }
0x60: {  	[tilespmem:v21+s17+$0x0] =	vst.idx.msk $0xffff, v37  }
0x61: {  	v37 =	vld.idx.msk [tilespmem:v55+s15+$0x0], $0xffff  }
0x62: {  	v36 =	vadd.s32 $0x2, v36;
	_ =	sdelay $0x3  }
0x63: {  	[tilespmem:v22+s17+$0x0] =	vst.idx.msk $0xffff, v37  }
0x64: {  	v36 =	vld.idx.msk [tilespmem:v36+s15+$0x0], $0xffff;
	_ =	sdelay $0x4  }
0x65: {  	[tilespmem:v23+s17+$0x0] =	vst.idx.msk $0xffff, v36  }
0x66: {  	v36 =	vld [tilespmem:$0x2C40];
	_ =	sdelay $0x4  }
0x67: {  	v36 =	vmul.u32 $0x3, v36;
	_ =	sdelay $0x5  }
0x68: {  	v37 =	vld.idx.msk [tilespmem:v36+s15+$0x0], $0xffff  }
0x69: {  	v56 =	vadd.s32 $0x1, v36;
	_ =	sdelay $0x3  }
0x6a: {  	[tilespmem:v24+s17+$0x0] =	vst.idx.msk $0xffff, v37  }
0x6b: {  	v37 =	vld.idx.msk [tilespmem:v56+s15+$0x0], $0xffff  }
0x6c: {  	v36 =	vadd.s32 $0x2, v36;
	_ =	sdelay $0x3  }
0x6d: {  	[tilespmem:v25+s17+$0x0] =	vst.idx.msk $0xffff, v37  }
0x6e: {  	v36 =	vld.idx.msk [tilespmem:v36+s15+$0x0], $0xffff;
	_ =	sdelay $0x4  }
0x6f: {  	[tilespmem:v26+s17+$0x0] =	vst.idx.msk $0xffff, v36  }
0x70: {  	v36 =	vld [tilespmem:$0x2C50];
	_ =	sdelay $0x4  }
0x71: {  	v36 =	vmul.u32 $0x3, v36;
	_ =	sdelay $0x5  }
0x72: {  	v37 =	vld.idx.msk [tilespmem:v36+s15+$0x0], $0xffff  }
0x73: {  	v57 =	vadd.s32 $0x1, v36;
	_ =	sdelay $0x3  }
0x74: {  	[tilespmem:v27+s17+$0x0] =	vst.idx.msk $0xffff, v37  }
0x75: {  	v37 =	vld.idx.msk [tilespmem:v57+s15+$0x0], $0xffff  }
0x76: {  	v36 =	vadd.s32 $0x2, v36;
	_ =	sdelay $0x3  }
0x77: {  	[tilespmem:v28+s17+$0x0] =	vst.idx.msk $0xffff, v37  }
0x78: {  	v36 =	vld.idx.msk [tilespmem:v36+s15+$0x0], $0xffff;
	_ =	sdelay $0x4  }
0x79: {  	[tilespmem:v29+s17+$0x0] =	vst.idx.msk $0xffff, v36  }
0x7a: {  	v36 =	vld [tilespmem:$0x2C60];
	_ =	sdelay $0x4  }
0x7b: {  	v36 =	vmul.u32 $0x3, v36;
	_ =	sdelay $0x5  }
0x7c: {  	v37 =	vld.idx.msk [tilespmem:v36+s15+$0x0], $0xffff  }
0x7d: {  	v58 =	vadd.s32 $0x1, v36;
	_ =	sdelay $0x3  }
0x7e: {  	[tilespmem:v30+s17+$0x0] =	vst.idx.msk $0xffff, v37  }
0x7f: {  	v37 =	vld.idx.msk [tilespmem:v58+s15+$0x0], $0xffff  }
0x80: {  	v36 =	vadd.s32 $0x2, v36;
	_ =	sdelay $0x3  }
0x81: {  	[tilespmem:v31+s17+$0x0] =	vst.idx.msk $0xffff, v37  }
0x82: {  	v36 =	vld.idx.msk [tilespmem:v36+s15+$0x0], $0xffff;
	_ =	sdelay $0x4  }
0x83: {  	[tilespmem:v32+s17+$0x0] =	vst.idx.msk $0xffff, v36  }
0x84: {  	v36 =	vld [tilespmem:$0x2C70];
	_ =	sdelay $0x4  }
0x85: {  	v36 =	vmul.u32 $0x3, v36;
	_ =	sdelay $0x5  }
0x86: {  	v37 =	vld.idx.msk [tilespmem:v36+s15+$0x0], $0xffff  }
0x87: {  	v59 =	vadd.s32 $0x1, v36;
	_ =	sdelay $0x3  }
0x88: {  	[tilespmem:v33+s17+$0x0] =	vst.idx.msk $0xffff, v37  }
0x89: {  	v37 =	vld.idx.msk [tilespmem:v59+s15+$0x0], $0xffff  }
0x8a: {  	v36 =	vadd.s32 $0x2, v36;
	_ =	sdelay $0x3  }
0x8b: {  	[tilespmem:v34+s17+$0x0] =	vst.idx.msk $0xffff, v37  }
0x8c: {  	v36 =	vld.idx.msk [tilespmem:v36+s15+$0x0], $0xffff;
	_ =	sdelay $0x4  }
0x8d: {  	[tilespmem:v35+s17+$0x0] =	vst.idx.msk $0xffff, v36  }
0x8e: {  	[hbm4b:s8+s3] =	stream.linear.scatter [tilespmem:s17], [sflag:$0x2], $0x4000, $0x38;
	[tilespmem:$0xAEC0] =	vst v63  }
0x8f: {  	v36 =	vld [tilespmem:$0x2C80];
	_ =	sdelay $0x4  }
0x90: {  	v36 =	vmul.u32 $0x3, v36;
	_ =	sdelay $0x5  }
0x91: {  	v37 =	vld.idx.msk [tilespmem:v36+s15+$0x0], $0xffff  }
0x92: {  	v60 =	vadd.s32 $0x1, v36;
	_ =	sdelay $0x3  }
0x93: {  	[tilespmem:v9+s18+$0x0] =	vst.idx.msk $0xffff, v37  }
0x94: {  	v37 =	vld.idx.msk [tilespmem:v60+s15+$0x0], $0xffff  }
0x95: {  	v36 =	vadd.s32 $0x2, v36;
	_ =	sdelay $0x3  }
0x96: {  	[tilespmem:v13+s18+$0x0] =	vst.idx.msk $0xffff, v37  }
0x97: {  	v36 =	vld.idx.msk [tilespmem:v36+s15+$0x0], $0xffff;
	_ =	sdelay $0x4  }
0x98: {  	[tilespmem:v14+s18+$0x0] =	vst.idx.msk $0xffff, v36  }
0x99: {  	v36 =	vld [tilespmem:$0x2C90];
	_ =	sdelay $0x4  }
0x9a: {  	v36 =	vmul.u32 $0x3, v36;
	_ =	sdelay $0x5  }
0x9b: {  	v37 =	vld.idx.msk [tilespmem:v36+s15+$0x0], $0xffff  }
0x9c: {  	v61 =	vadd.s32 $0x1, v36;
	_ =	sdelay $0x3  }
0x9d: {  	[tilespmem:v15+s18+$0x0] =	vst.idx.msk $0xffff, v37  }
0x9e: {  	v37 =	vld.idx.msk [tilespmem:v61+s15+$0x0], $0xffff  }
0x9f: {  	v36 =	vadd.s32 $0x2, v36;
	_ =	sdelay $0x3  }
0xa0: {  	[tilespmem:v16+s18+$0x0] =	vst.idx.msk $0xffff, v37  }
0xa1: {  	v36 =	vld.idx.msk [tilespmem:v36+s15+$0x0], $0xffff;
	_ =	sdelay $0x4  }
0xa2: {  	[tilespmem:v17+s18+$0x0] =	vst.idx.msk $0xffff, v36  }
0xa3: {  	v36 =	vld [tilespmem:$0x2CA0];
	_ =	sdelay $0x4  }
0xa4: {  	v36 =	vmul.u32 $0x3, v36;
	_ =	sdelay $0x5  }
0xa5: {  	v37 =	vld.idx.msk [tilespmem:v36+s15+$0x0], $0xffff  }
0xa6: {  	v62 =	vadd.s32 $0x1, v36;
	_ =	sdelay $0x3  }
0xa7: {  	[tilespmem:v18+s18+$0x0] =	vst.idx.msk $0xffff, v37  }
0xa8: {  	v37 =	vld.idx.msk [tilespmem:v62+s15+$0x0], $0xffff  }
0xa9: {  	v36 =	vadd.s32 $0x2, v36;
	_ =	sdelay $0x3  }
0xaa: {  	[tilespmem:v19+s18+$0x0] =	vst.idx.msk $0xffff, v37  }
0xab: {  	v36 =	vld.idx.msk [tilespmem:v36+s15+$0x0], $0xffff;
	_ =	sdelay $0x4  }
0xac: {  	[tilespmem:v20+s18+$0x0] =	vst.idx.msk $0xffff, v36  }
0xad: {  	v36 =	vld [tilespmem:$0x2CB0];
	_ =	sdelay $0x4  }
0xae: {  	v36 =	vmul.u32 $0x3, v36;
	_ =	sdelay $0x5  }
0xaf: {  	v37 =	vld.idx.msk [tilespmem:v36+s15+$0x0], $0xffff  }
0xb0: {  	v63 =	vadd.s32 $0x1, v36;
	_ =	sdelay $0x3  }
0xb1: {  	[tilespmem:v21+s18+$0x0] =	vst.idx.msk $0xffff, v37  }
0xb2: {  	v37 =	vld.idx.msk [tilespmem:v63+s15+$0x0], $0xffff  }
0xb3: {  	v36 =	vadd.s32 $0x2, v36;
	_ =	sdelay $0x3  }
0xb4: {  	[tilespmem:v22+s18+$0x0] =	vst.idx.msk $0xffff, v37  }
0xb5: {  	v36 =	vld.idx.msk [tilespmem:v36+s15+$0x0], $0xffff;
	_ =	sdelay $0x4  }
0xb6: {  	[tilespmem:v23+s18+$0x0] =	vst.idx.msk $0xffff, v36  }
0xb7: {  	v36 =	vld [tilespmem:$0x2CC0];
	_ =	sdelay $0x4  }
0xb8: {  	v36 =	vmul.u32 $0x3, v36;
	_ =	sdelay $0x5  }
0xb9: {  	v37 =	vld.idx.msk [tilespmem:v36+s15+$0x0], $0xffff  }
0xba: {  	v40 =	vadd.s32 $0x1, v36;
	_ =	sdelay $0x3  }
0xbb: {  	[tilespmem:v24+s18+$0x0] =	vst.idx.msk $0xffff, v37  }
0xbc: {  	v37 =	vld.idx.msk [tilespmem:v40+s15+$0x0], $0xffff  }
0xbd: {  	v36 =	vadd.s32 $0x2, v36;
	_ =	sdelay $0x3  }
0xbe: {  	[tilespmem:v25+s18+$0x0] =	vst.idx.msk $0xffff, v37  }
0xbf: {  	v36 =	vld.idx.msk [tilespmem:v36+s15+$0x0], $0xffff;
	_ =	sdelay $0x4  }
0xc0: {  	[tilespmem:v26+s18+$0x0] =	vst.idx.msk $0xffff, v36  }
0xc1: {  	v36 =	vld [tilespmem:$0x2CD0];
	_ =	sdelay $0x4  }
0xc2: {  	v36 =	vmul.u32 $0x3, v36;
	_ =	sdelay $0x5  }
0xc3: {  	v37 =	vld.idx.msk [tilespmem:v36+s15+$0x0], $0xffff  }
0xc4: {  	v41 =	vadd.s32 $0x1, v36;
	_ =	sdelay $0x3  }
0xc5: {  	[tilespmem:v27+s18+$0x0] =	vst.idx.msk $0xffff, v37  }
0xc6: {  	v37 =	vld.idx.msk [tilespmem:v41+s15+$0x0], $0xffff  }
0xc7: {  	v36 =	vadd.s32 $0x2, v36;
	_ =	sdelay $0x3  }
0xc8: {  	[tilespmem:v28+s18+$0x0] =	vst.idx.msk $0xffff, v37  }
0xc9: {  	v36 =	vld.idx.msk [tilespmem:v36+s15+$0x0], $0xffff;
	_ =	sdelay $0x4  }
0xca: {  	[tilespmem:v29+s18+$0x0] =	vst.idx.msk $0xffff, v36  }
0xcb: {  	v36 =	vld [tilespmem:$0x2CE0];
	_ =	sdelay $0x4  }
0xcc: {  	v36 =	vmul.u32 $0x3, v36;
	_ =	sdelay $0x5  }
0xcd: {  	v37 =	vld.idx.msk [tilespmem:v36+s15+$0x0], $0xffff  }
0xce: {  	v42 =	vadd.s32 $0x1, v36;
	_ =	sdelay $0x3  }
0xcf: {  	[tilespmem:v30+s18+$0x0] =	vst.idx.msk $0xffff, v37  }
0xd0: {  	v37 =	vld.idx.msk [tilespmem:v42+s15+$0x0], $0xffff  }
0xd1: {  	v36 =	vadd.s32 $0x2, v36;
	_ =	sdelay $0x3  }
0xd2: {  	[tilespmem:v31+s18+$0x0] =	vst.idx.msk $0xffff, v37  }
0xd3: {  	v36 =	vld.idx.msk [tilespmem:v36+s15+$0x0], $0xffff;
	_ =	sdelay $0x4  }
0xd4: {  	[tilespmem:v32+s18+$0x0] =	vst.idx.msk $0xffff, v36  }
0xd5: {  	v36 =	vld [tilespmem:$0x2CF0];
	_ =	sdelay $0x4  }
0xd6: {  	v36 =	vmul.u32 $0x3, v36;
	_ =	sdelay $0x5  }
0xd7: {  	v37 =	vld.idx.msk [tilespmem:v36+s15+$0x0], $0xffff  }
0xd8: {  	v43 =	vadd.s32 $0x1, v36;
	_ =	sdelay $0x3  }
0xd9: {  	[tilespmem:v33+s18+$0x0] =	vst.idx.msk $0xffff, v37  }
0xda: {  	v37 =	vld.idx.msk [tilespmem:v43+s15+$0x0], $0xffff  }
0xdb: {  	v36 =	vadd.s32 $0x2, v36;
	_ =	sdelay $0x3  }
0xdc: {  	[tilespmem:v34+s18+$0x0] =	vst.idx.msk $0xffff, v37  }
0xdd: {  	v36 =	vld.idx.msk [tilespmem:v36+s15+$0x0], $0xffff;
	_ =	sdelay $0x4  }
0xde: {  	[tilespmem:v35+s18+$0x0] =	vst.idx.msk $0xffff, v36  }
0xdf: {  	[hbm4b:s9+s3] =	stream.linear.scatter [tilespmem:s18], [sflag:$0x3], $0x4000, $0x38;
	[tilespmem:$0xAEC0] =	vst v63  }
0xe0: {  	_ =	swait.ge [sflag:s19], $0x4000  }
0xe1: {  	[sflag:s19] =	ssyncset.done $0x0  }
0xe2: {  	[sflag:s19] =	ssyncadd.s32 $0xFFFFC000  }
0xe3: {  	v44 =	vld [tilespmem:$0x2D00];
	_ =	sdelay $0x4  }
0xe4: {  	v36 =	vmul.u32 $0x3, v44;
	_ =	sdelay $0x5  }
0xe5: {  	v45 =	vld.idx.msk [tilespmem:v36+s15+$0x0], $0xffff  }
0xe6: {  	v46 =	vadd.s32 $0x1, v36;
	_ =	sdelay $0x3  }
0xe7: {  	[tilespmem:v9+s17+$0x0] =	vst.idx.msk $0xffff, v45  }
0xe8: {  	v37 =	vld.idx.msk [tilespmem:v46+s15+$0x0], $0xffff  }
0xe9: {  	v36 =	vadd.s32 $0x2, v36;
	_ =	sdelay $0x3  }
0xea: {  	[tilespmem:v13+s17+$0x0] =	vst.idx.msk $0xffff, v37  }
0xeb: {  	v36 =	vld.idx.msk [tilespmem:v36+s15+$0x0], $0xffff;
	_ =	sdelay $0x4  }
0xec: {  	[tilespmem:v14+s17+$0x0] =	vst.idx.msk $0xffff, v36  }
0xed: {  	v36 =	vld [tilespmem:$0x2D10];
	_ =	sdelay $0x4  }
0xee: {  	v36 =	vmul.u32 $0x3, v36;
	_ =	sdelay $0x5  }
0xef: {  	v37 =	vld.idx.msk [tilespmem:v36+s15+$0x0], $0xffff  }
0xf0: {  	v47 =	vadd.s32 $0x1, v36;
	_ =	sdelay $0x3  }
0xf1: {  	[tilespmem:v15+s17+$0x0] =	vst.idx.msk $0xffff, v37  }
0xf2: {  	v37 =	vld.idx.msk [tilespmem:v47+s15+$0x0], $0xffff  }
0xf3: {  	v36 =	vadd.s32 $0x2, v36;
	_ =	sdelay $0x3  }
0xf4: {  	[tilespmem:v16+s17+$0x0] =	vst.idx.msk $0xffff, v37  }
0xf5: {  	v36 =	vld.idx.msk [tilespmem:v36+s15+$0x0], $0xffff;
	_ =	sdelay $0x4  }
0xf6: {  	[tilespmem:v17+s17+$0x0] =	vst.idx.msk $0xffff, v36  }
0xf7: {  	v36 =	vld [tilespmem:$0x2D20];
	_ =	sdelay $0x4  }
0xf8: {  	v36 =	vmul.u32 $0x3, v36;
	_ =	sdelay $0x5  }
0xf9: {  	v37 =	vld.idx.msk [tilespmem:v36+s15+$0x0], $0xffff  }
0xfa: {  	v48 =	vadd.s32 $0x1, v36;
	_ =	sdelay $0x3  }
0xfb: {  	[tilespmem:v18+s17+$0x0] =	vst.idx.msk $0xffff, v37  }
0xfc: {  	v37 =	vld.idx.msk [tilespmem:v48+s15+$0x0], $0xffff  }
0xfd: {  	v36 =	vadd.s32 $0x2, v36;
	_ =	sdelay $0x3  }
0xfe: {  	[tilespmem:v19+s17+$0x0] =	vst.idx.msk $0xffff, v37  }
0xff: {  	v36 =	vld.idx.msk [tilespmem:v36+s15+$0x0], $0xffff;
	_ =	sdelay $0x4  }
0x100: {  	[tilespmem:v20+s17+$0x0] =	vst.idx.msk $0xffff, v36  }
0x101: {  	v36 =	vld [tilespmem:$0x2D30];
	_ =	sdelay $0x4  }
0x102: {  	v36 =	vmul.u32 $0x3, v36;
	_ =	sdelay $0x5  }
0x103: {  	v37 =	vld.idx.msk [tilespmem:v36+s15+$0x0], $0xffff  }
0x104: {  	v49 =	vadd.s32 $0x1, v36;
	_ =	sdelay $0x3  }
0x105: {  	[tilespmem:v21+s17+$0x0] =	vst.idx.msk $0xffff, v37  }
0x106: {  	v37 =	vld.idx.msk [tilespmem:v49+s15+$0x0], $0xffff  }
0x107: {  	v36 =	vadd.s32 $0x2, v36;
	_ =	sdelay $0x3  }
0x108: {  	[tilespmem:v22+s17+$0x0] =	vst.idx.msk $0xffff, v37  }
0x109: {  	v36 =	vld.idx.msk [tilespmem:v36+s15+$0x0], $0xffff;
	_ =	sdelay $0x4  }
0x10a: {  	[tilespmem:v23+s17+$0x0] =	vst.idx.msk $0xffff, v36  }
0x10b: {  	v36 =	vld [tilespmem:$0x2D40];
	_ =	sdelay $0x4  }
0x10c: {  	v36 =	vmul.u32 $0x3, v36;
	_ =	sdelay $0x5  }
0x10d: {  	v37 =	vld.idx.msk [tilespmem:v36+s15+$0x0], $0xffff  }
0x10e: {  	v50 =	vadd.s32 $0x1, v36;
	_ =	sdelay $0x3  }
0x10f: {  	[tilespmem:v24+s17+$0x0] =	vst.idx.msk $0xffff, v37  }
0x110: {  	v37 =	vld.idx.msk [tilespmem:v50+s15+$0x0], $0xffff  }
0x111: {  	v36 =	vadd.s32 $0x2, v36;
	_ =	sdelay $0x3  }
0x112: {  	[tilespmem:v25+s17+$0x0] =	vst.idx.msk $0xffff, v37  }
0x113: {  	v36 =	vld.idx.msk [tilespmem:v36+s15+$0x0], $0xffff;
	_ =	sdelay $0x4  }
0x114: {  	[tilespmem:v26+s17+$0x0] =	vst.idx.msk $0xffff, v36  }
0x115: {  	v36 =	vld [tilespmem:$0x2D50];
	_ =	sdelay $0x4  }
0x116: {  	v36 =	vmul.u32 $0x3, v36;
	_ =	sdelay $0x5  }
0x117: {  	v37 =	vld.idx.msk [tilespmem:v36+s15+$0x0], $0xffff  }
0x118: {  	v51 =	vadd.s32 $0x1, v36;
	_ =	sdelay $0x3  }
0x119: {  	[tilespmem:v27+s17+$0x0] =	vst.idx.msk $0xffff, v37  }
0x11a: {  	v37 =	vld.idx.msk [tilespmem:v51+s15+$0x0], $0xffff  }
0x11b: {  	v36 =	vadd.s32 $0x2, v36;
	_ =	sdelay $0x3  }
0x11c: {  	[tilespmem:v28+s17+$0x0] =	vst.idx.msk $0xffff, v37  }
0x11d: {  	v36 =	vld.idx.msk [tilespmem:v36+s15+$0x0], $0xffff;
	_ =	sdelay $0x4  }
0x11e: {  	[tilespmem:v29+s17+$0x0] =	vst.idx.msk $0xffff, v36  }
0x11f: {  	v36 =	vld [tilespmem:$0x2D60];
	_ =	sdelay $0x4  }
0x120: {  	v36 =	vmul.u32 $0x3, v36;
	_ =	sdelay $0x5  }
0x121: {  	v37 =	vld.idx.msk [tilespmem:v36+s15+$0x0], $0xffff  }
0x122: {  	v52 =	vadd.s32 $0x1, v36;
	_ =	sdelay $0x3  }
0x123: {  	[tilespmem:v30+s17+$0x0] =	vst.idx.msk $0xffff, v37  }
0x124: {  	v37 =	vld.idx.msk [tilespmem:v52+s15+$0x0], $0xffff  }
0x125: {  	v36 =	vadd.s32 $0x2, v36;
	_ =	sdelay $0x3  }
0x126: {  	[tilespmem:v31+s17+$0x0] =	vst.idx.msk $0xffff, v37  }
0x127: {  	v36 =	vld.idx.msk [tilespmem:v36+s15+$0x0], $0xffff;
	_ =	sdelay $0x4  }
0x128: {  	[tilespmem:v32+s17+$0x0] =	vst.idx.msk $0xffff, v36  }
0x129: {  	v36 =	vld [tilespmem:$0x2D70];
	_ =	sdelay $0x4  }
0x12a: {  	v36 =	vmul.u32 $0x3, v36;
	_ =	sdelay $0x5  }
0x12b: {  	v37 =	vld.idx.msk [tilespmem:v36+s15+$0x0], $0xffff  }
0x12c: {  	v53 =	vadd.s32 $0x1, v36;
	_ =	sdelay $0x3  }
0x12d: {  	[tilespmem:v33+s17+$0x0] =	vst.idx.msk $0xffff, v37  }
0x12e: {  	v37 =	vld.idx.msk [tilespmem:v53+s15+$0x0], $0xffff  }
0x12f: {  	v36 =	vadd.s32 $0x2, v36;
	_ =	sdelay $0x3  }
0x130: {  	[tilespmem:v34+s17+$0x0] =	vst.idx.msk $0xffff, v37  }
0x131: {  	v36 =	vld.idx.msk [tilespmem:v36+s15+$0x0], $0xffff;
	_ =	sdelay $0x4  }
0x132: {  	[tilespmem:v35+s17+$0x0] =	vst.idx.msk $0xffff, v36  }
0x133: {  	[hbm4b:s10+s3] =	stream.linear.scatter [tilespmem:s17], [sflag:$0x2], $0x4000, $0x38;
	[tilespmem:$0xAEC0] =	vst v63  }
0x134: {  	_ =	swait.ge [sflag:s20], $0x4000  }
0x135: {  	[sflag:s20] =	ssyncset.done $0x0  }
0x136: {  	[sflag:s20] =	ssyncadd.s32 $0xFFFFC000  }
0x137: {  	v54 =	vld [tilespmem:$0x2D80];
	_ =	sdelay $0x4  }
0x138: {  	v36 =	vmul.u32 $0x3, v54;
	_ =	sdelay $0x5  }
0x139: {  	v55 =	vld.idx.msk [tilespmem:v36+s15+$0x0], $0xffff  }
0x13a: {  	v56 =	vadd.s32 $0x1, v36;
	_ =	sdelay $0x3  }
0x13b: {  	[tilespmem:v9+s18+$0x0] =	vst.idx.msk $0xffff, v55  }
0x13c: {  	v37 =	vld.idx.msk [tilespmem:v56+s15+$0x0], $0xffff  }
0x13d: {  	v36 =	vadd.s32 $0x2, v36;
	_ =	sdelay $0x3  }
0x13e: {  	[tilespmem:v13+s18+$0x0] =	vst.idx.msk $0xffff, v37  }
0x13f: {  	v36 =	vld.idx.msk [tilespmem:v36+s15+$0x0], $0xffff;
	_ =	sdelay $0x4  }
0x140: {  	[tilespmem:v14+s18+$0x0] =	vst.idx.msk $0xffff, v36  }
0x141: {  	v36 =	vld [tilespmem:$0x2D90];
	_ =	sdelay $0x4  }
0x142: {  	v36 =	vmul.u32 $0x3, v36;
	_ =	sdelay $0x5  }
0x143: {  	v37 =	vld.idx.msk [tilespmem:v36+s15+$0x0], $0xffff  }
0x144: {  	v57 =	vadd.s32 $0x1, v36;
	_ =	sdelay $0x3  }
0x145: {  	[tilespmem:v15+s18+$0x0] =	vst.idx.msk $0xffff, v37  }
0x146: {  	v37 =	vld.idx.msk [tilespmem:v57+s15+$0x0], $0xffff  }
0x147: {  	v36 =	vadd.s32 $0x2, v36;
	_ =	sdelay $0x3  }
0x148: {  	[tilespmem:v16+s18+$0x0] =	vst.idx.msk $0xffff, v37  }
0x149: {  	v36 =	vld.idx.msk [tilespmem:v36+s15+$0x0], $0xffff;
	_ =	sdelay $0x4  }
0x14a: {  	[tilespmem:v17+s18+$0x0] =	vst.idx.msk $0xffff, v36  }
0x14b: {  	v36 =	vld [tilespmem:$0x2DA0];
	_ =	sdelay $0x4  }
0x14c: {  	v36 =	vmul.u32 $0x3, v36;
	_ =	sdelay $0x5  }
0x14d: {  	v37 =	vld.idx.msk [tilespmem:v36+s15+$0x0], $0xffff  }
0x14e: {  	v58 =	vadd.s32 $0x1, v36;
	_ =	sdelay $0x3  }
0x14f: {  	[tilespmem:v18+s18+$0x0] =	vst.idx.msk $0xffff, v37  }
0x150: {  	v37 =	vld.idx.msk [tilespmem:v58+s15+$0x0], $0xffff  }
0x151: {  	v36 =	vadd.s32 $0x2, v36;
	_ =	sdelay $0x3  }
0x152: {  	[tilespmem:v19+s18+$0x0] =	vst.idx.msk $0xffff, v37  }
0x153: {  	v36 =	vld.idx.msk [tilespmem:v36+s15+$0x0], $0xffff;
	_ =	sdelay $0x4  }
0x154: {  	[tilespmem:v20+s18+$0x0] =	vst.idx.msk $0xffff, v36  }
0x155: {  	v36 =	vld [tilespmem:$0x2DB0];
	_ =	sdelay $0x4  }
0x156: {  	v36 =	vmul.u32 $0x3, v36;
	_ =	sdelay $0x5  }
0x157: {  	v37 =	vld.idx.msk [tilespmem:v36+s15+$0x0], $0xffff  }
0x158: {  	v59 =	vadd.s32 $0x1, v36;
	_ =	sdelay $0x3  }
0x159: {  	[tilespmem:v21+s18+$0x0] =	vst.idx.msk $0xffff, v37  }
0x15a: {  	v37 =	vld.idx.msk [tilespmem:v59+s15+$0x0], $0xffff  }
0x15b: {  	v36 =	vadd.s32 $0x2, v36;
	_ =	sdelay $0x3  }
0x15c: {  	[tilespmem:v22+s18+$0x0] =	vst.idx.msk $0xffff, v37  }
0x15d: {  	v36 =	vld.idx.msk [tilespmem:v36+s15+$0x0], $0xffff;
	_ =	sdelay $0x4  }
0x15e: {  	[tilespmem:v23+s18+$0x0] =	vst.idx.msk $0xffff, v36  }
0x15f: {  	v36 =	vld [tilespmem:$0x2DC0];
	_ =	sdelay $0x4  }
0x160: {  	v36 =	vmul.u32 $0x3, v36;
	_ =	sdelay $0x5  }
0x161: {  	v37 =	vld.idx.msk [tilespmem:v36+s15+$0x0], $0xffff  }
0x162: {  	v60 =	vadd.s32 $0x1, v36;
	_ =	sdelay $0x3  }
0x163: {  	[tilespmem:v24+s18+$0x0] =	vst.idx.msk $0xffff, v37  }
0x164: {  	v37 =	vld.idx.msk [tilespmem:v60+s15+$0x0], $0xffff  }
0x165: {  	v36 =	vadd.s32 $0x2, v36;
	_ =	sdelay $0x3  }
0x166: {  	[tilespmem:v25+s18+$0x0] =	vst.idx.msk $0xffff, v37  }
0x167: {  	v36 =	vld.idx.msk [tilespmem:v36+s15+$0x0], $0xffff;
	_ =	sdelay $0x4  }
0x168: {  	[tilespmem:v26+s18+$0x0] =	vst.idx.msk $0xffff, v36  }
0x169: {  	v36 =	vld [tilespmem:$0x2DD0];
	_ =	sdelay $0x4  }
0x16a: {  	v36 =	vmul.u32 $0x3, v36;
	_ =	sdelay $0x5  }
0x16b: {  	v37 =	vld.idx.msk [tilespmem:v36+s15+$0x0], $0xffff  }
0x16c: {  	v61 =	vadd.s32 $0x1, v36;
	_ =	sdelay $0x3  }
0x16d: {  	[tilespmem:v27+s18+$0x0] =	vst.idx.msk $0xffff, v37  }
0x16e: {  	v37 =	vld.idx.msk [tilespmem:v61+s15+$0x0], $0xffff  }
0x16f: {  	v36 =	vadd.s32 $0x2, v36;
	_ =	sdelay $0x3  }
0x170: {  	[tilespmem:v28+s18+$0x0] =	vst.idx.msk $0xffff, v37  }
0x171: {  	v36 =	vld.idx.msk [tilespmem:v36+s15+$0x0], $0xffff;
	_ =	sdelay $0x4  }
0x172: {  	[tilespmem:v29+s18+$0x0] =	vst.idx.msk $0xffff, v36  }
0x173: {  	v36 =	vld [tilespmem:$0x2DE0];
	_ =	sdelay $0x4  }
0x174: {  	v36 =	vmul.u32 $0x3, v36;
	_ =	sdelay $0x5  }
0x175: {  	v37 =	vld.idx.msk [tilespmem:v36+s15+$0x0], $0xffff  }
0x176: {  	v62 =	vadd.s32 $0x1, v36;
	_ =	sdelay $0x3  }
0x177: {  	[tilespmem:v30+s18+$0x0] =	vst.idx.msk $0xffff, v37  }
0x178: {  	v37 =	vld.idx.msk [tilespmem:v62+s15+$0x0], $0xffff  }
0x179: {  	v36 =	vadd.s32 $0x2, v36;
	_ =	sdelay $0x3  }
0x17a: {  	[tilespmem:v31+s18+$0x0] =	vst.idx.msk $0xffff, v37  }
0x17b: {  	v36 =	vld.idx.msk [tilespmem:v36+s15+$0x0], $0xffff;
	_ =	sdelay $0x4  }
0x17c: {  	[tilespmem:v32+s18+$0x0] =	vst.idx.msk $0xffff, v36  }
0x17d: {  	v36 =	vld [tilespmem:$0x2DF0];
	_ =	sdelay $0x4  }
0x17e: {  	v36 =	vmul.u32 $0x3, v36;
	_ =	sdelay $0x5  }
0x17f: {  	v37 =	vld.idx.msk [tilespmem:v36+s15+$0x0], $0xffff  }
0x180: {  	v63 =	vadd.s32 $0x1, v36;
	_ =	sdelay $0x3  }
0x181: {  	[tilespmem:v33+s18+$0x0] =	vst.idx.msk $0xffff, v37  }
0x182: {  	v37 =	vld.idx.msk [tilespmem:v63+s15+$0x0], $0xffff  }
0x183: {  	v36 =	vadd.s32 $0x2, v36;
	_ =	sdelay $0x3  }
0x184: {  	[tilespmem:v34+s18+$0x0] =	vst.idx.msk $0xffff, v37  }
0x185: {  	v36 =	vld.idx.msk [tilespmem:v36+s15+$0x0], $0xffff;
	_ =	sdelay $0x4  }
0x186: {  	[tilespmem:v35+s18+$0x0] =	vst.idx.msk $0xffff, v36  }
0x187: {  	[hbm4b:s11+s3] =	stream.linear.scatter [tilespmem:s18], [sflag:$0x3], $0x4000, $0x38;
	[tilespmem:$0xAEC0] =	vst v63  }
0x188: {  	p0 =	sne.s32 s12, $0x1;
	_ =	swait.ge [sflag:s19], $0x4000  }
.Ltmp0:
0x189: {  	[sflag:s19] =	ssyncset.done $0x0;
	(pc) =	sbr.rel @p0 .LBB2_1-.Ltmp0, $4  }
0x18a: {  	[sflag:s19] =	ssyncadd.s32 $0xFFFFC000  }
0x18b: {  	_ =	swait.ge [sflag:s20], $0x4000  }
0x18c: {  	[sflag:s20] =	ssyncset.done $0x0  }
0x18d: {  	s12 =	sadd.s32 $0xFFFFFFFF, s12;
	[sflag:s20] =	ssyncadd.s32 $0xFFFFC000  }
0x18e: {  	_ =	sfence.sel $0x180000  }
0x18f: {  	[bflag:$0x0] =	sbarrier.arrive $0xFFFF  }
0x190: {  	p0 =	sne.s32 s0, $0x0;
	_ =	strace $0x90000047  }
0x191: {  	s0 =	sadd.s32 @!p0 $0x100000, s1;
	[bflag:$0x2] =	sbarrier.arrive $0xFFFF  }
0x192: {  	[sflag:s0] =	ssyncadd.tile.s32 @!p0 $0x1;
	_ =	shalt  }
.Lfunc_end2:
_tile_overlayer_lowered:
.L_overlay_start_2:
0x193: {  	(tag) =	ssettag $0x2  }
0x194: {  	s0 =	rddreg [dreg:$0x0];
	s2 =	stileid.u32  }
0x195: {  	s1 =	rddreg [dreg:$0x1];
	p0 =	sne.s32 s2, $0x0  }
0x196: {  	s3 =	rddreg [dreg:$0x2];
	[bflag:$0x3] =	sbarrier.arrive $0xFFFF;
	s2 =	simm.s32 @!p0 $0x1C04  }
0x197: {  	[timem:s3], [sflag:s2] =	dma.local @!p0 [hbm:s0], s1  }
0x198: {  	s0 =	simm.s32 @!p0 $0x4  }
0x199: {  	_ =	swait.ge @!p0 [sflag:s0], s1  }
0x19a: {  	s1 =	ssub.s32 @!p0 $0x0, s1;
	[sflag:s0] =	ssyncset.done @!p0 $0x0  }
0x19b: {  	[sflag:s0] =	ssyncadd.s32 @!p0 s1  }
0x19c: {  	[bflag:$0x3] =	sbarrier.arrive $0xFFFF  }
0x19d: {  	_ =	shalt  }

</sc_bundles>
